<compile_context>
chip_gen: v7x
topology: tpu7x:2x2x1
jax: 0.10.2.dev20260603
libtpu: 0.0.44.dev20260713+nightly
codegen_flags: <defaults>
</compile_context>

<pallas_src>
import functools

import numpy as np
import jax
import jax.numpy as jnp
from jax import lax
from jax.experimental import pallas as pl
from jax.experimental.pallas import tpu as pltpu
from jax.experimental.pallas import tpu_sc as plsc

N = 10000
D = 128
DW = 16
NPAD = 10240
NCORES = 2
NTILES = 16
NW = NCORES * NTILES
RPT = NPAD // NTILES
C = 64
RING = 3
C2 = 128
BM = 1000


def _sc_mesh():
    return plsc.VectorSubcoreMesh(
        core_axis_name="c", subcore_axis_name="s",
        num_cores=NCORES, num_subcores=NTILES,
    )



@functools.lru_cache()
def _make_deg(nch2):

    @functools.partial(
        pl.kernel,
        mesh=_sc_mesh(),
        compiler_params=pltpu.CompilerParams(use_tc_tiling_on_sc=False),
        out_type=jax.ShapeDtypeStruct((NCORES, NPAD, DW), jnp.float32),
        scratch_types=[
            pltpu.VMEM((nch2, C2), jnp.int32),
            pltpu.VMEM((C2, DW), jnp.float32),
            pltpu.VMEM_SHARED((NPAD, DW), jnp.float32),
            pltpu.SemaphoreType.DMA((2,)),
        ],
    )
    def deg_kernel(dstp_hbm, ones_hbm, zeros1_hbm, out_hbm, dst_idx, ones_v, acc, sem_o):
        c = lax.axis_index("c")
        s = lax.axis_index("s")
        wid = c * NTILES + s
        pltpu.sync_copy(dstp_hbm.at[wid], dst_idx)
        pltpu.sync_copy(ones_hbm, ones_v)
        r0 = s * RPT
        pltpu.sync_copy(zeros1_hbm.at[pl.ds(r0, RPT)], acc.at[pl.ds(r0, RPT)])
        plsc.subcore_barrier()

        def step(j, carry):
            b = lax.rem(j, 2)

            @pl.when(j >= 2)
            def _():
                pltpu.make_async_copy(ones_hbm, ones_v, sem_o.at[b]).wait()

            pltpu.async_copy(ones_v, acc.at[dst_idx.at[j]], sem_o.at[b],
                             add=True)
            return carry

        lax.fori_loop(0, nch2, step, 0)

        def dwait(k, carry):
            pltpu.make_async_copy(ones_hbm, ones_v, sem_o.at[k]).wait()
            return carry

        lax.fori_loop(0, 2, dwait, 0)
        plsc.subcore_barrier()
        pltpu.sync_copy(acc.at[pl.ds(r0, RPT)], out_hbm.at[c, pl.ds(r0, RPT)])

    return deg_kernel


@functools.lru_cache()
def _make_agg(nch):

    @functools.partial(
        pl.kernel,
        mesh=_sc_mesh(),
        compiler_params=pltpu.CompilerParams(use_tc_tiling_on_sc=False),
        out_type=jax.ShapeDtypeStruct((NCORES, NPAD, D), jnp.float32),
        scratch_types=[
            pltpu.VMEM_SHARED((NPAD, D), jnp.float32),
            pltpu.SemaphoreType.DMA((RING,)),
            pltpu.SemaphoreType.DMA((RING,)),
            pltpu.SemaphoreType.DMA,
        ],
    )
    def agg_kernel(y_hbm, edges_hbm, zeros_hbm, out_hbm, acc, sem_g, sem_s, sem_z):
        c = lax.axis_index("c")
        s = lax.axis_index("s")
        wid = c * NTILES + s
        r0 = s * RPT

        CR = 64

        def inner(idx, rows):
            pltpu.sync_copy(edges_hbm.at[wid], idx)

            def zstep(k, carry):
                off = r0 + k * CR
                pltpu.async_copy(zeros_hbm.at[pl.ds(off, CR)],
                                 acc.at[pl.ds(off, CR)], sem_z)
                return carry

            lax.fori_loop(0, RPT // CR, zstep, 0)

            def zwait(k, carry):
                pltpu.make_async_copy(zeros_hbm.at[pl.ds(r0, CR)],
                                      acc.at[pl.ds(r0, CR)], sem_z).wait()
                return carry

            lax.fori_loop(0, RPT // CR, zwait, 0)
            plsc.subcore_barrier()

            def step(j, carry):
                b = lax.rem(j, RING)

                @pl.when(j >= RING)
                def _():
                    pltpu.make_async_copy(y_hbm.at[pl.ds(0, C)], rows.at[b],
                                          sem_s.at[b]).wait()

                @pl.when(j < nch)
                def _():
                    pltpu.async_copy(y_hbm.at[idx.at[j, 0]], rows.at[b],
                                     sem_g.at[b])

                @pl.when(j >= 1)
                def _():
                    jp = j - 1
                    bp = lax.rem(jp, RING)
                    pltpu.make_async_copy(y_hbm.at[pl.ds(0, C)], rows.at[bp],
                                          sem_g.at[bp]).wait()
                    pltpu.async_copy(rows.at[bp], acc.at[idx.at[jp, 1]],
                                     sem_s.at[bp], add=True)

                return carry

            lax.fori_loop(0, nch + 1, step, 0)

            def dstep(k, carry):
                bd = lax.rem(nch - (RING - 1) + k, RING)
                pltpu.make_async_copy(y_hbm.at[pl.ds(0, C)], rows.at[bd],
                                      sem_s.at[bd]).wait()
                return carry

            lax.fori_loop(0, RING - 1, dstep, 0)
            plsc.subcore_barrier()

            def ostep(k, carry):
                off = r0 + k * CR
                pltpu.async_copy(acc.at[pl.ds(off, CR)],
                                 out_hbm.at[c, pl.ds(off, CR)], sem_z)
                return carry

            lax.fori_loop(0, RPT // CR, ostep, 0)

            def owait(k, carry):
                pltpu.make_async_copy(acc.at[pl.ds(r0, CR)],
                                      out_hbm.at[c, pl.ds(r0, CR)], sem_z).wait()
                return carry

            lax.fori_loop(0, RPT // CR, owait, 0)

        pl.run_scoped(
            inner,
            pltpu.VMEM((nch, 2, C), jnp.int32),
            pltpu.VMEM((RING, C, D), jnp.float32),
        )

    return agg_kernel



def _t1_body(p0, p1, x, w, y, dinv):
    deg = 1.0 + p0[0][:, :1] + p1[0][:, :1]
    di = lax.rsqrt(deg)
    y[...] = jnp.dot(x[...], w[...], preferred_element_type=jnp.float32) * di
    dinv[...] = di


def _t1(degp, x, w1):
    grid = (N // BM,)
    return pl.pallas_call(
        _t1_body,
        grid=grid,
        in_specs=[
            pl.BlockSpec((1, BM, DW), lambda i: (0, i, 0)),
            pl.BlockSpec((1, BM, DW), lambda i: (1, i, 0)),
            pl.BlockSpec((BM, D), lambda i: (i, 0)),
            pl.BlockSpec((D, D), lambda i: (0, 0)),
        ],
        out_specs=[
            pl.BlockSpec((BM, D), lambda i: (i, 0)),
            pl.BlockSpec((BM, 1), lambda i: (i, 0)),
        ],
        out_shape=[
            jax.ShapeDtypeStruct((N, D), jnp.float32),
            jax.ShapeDtypeStruct((N, 1), jnp.float32),
        ],
    )(degp, degp, x, w1)


def _t2_body(q0, q1, y, dinv, b, w, out):
    h = dinv[...] * (q0[0] + q1[0] + y[...]) + b[...]
    h = jnp.maximum(h, 0.0)
    out[...] = jnp.dot(h, w[...], preferred_element_type=jnp.float32) * dinv[...]


def _t2(q, y, dinv, b, w):
    grid = (N // BM,)
    return pl.pallas_call(
        _t2_body,
        grid=grid,
        in_specs=[
            pl.BlockSpec((1, BM, D), lambda i: (0, i, 0)),
            pl.BlockSpec((1, BM, D), lambda i: (1, i, 0)),
            pl.BlockSpec((BM, D), lambda i: (i, 0)),
            pl.BlockSpec((BM, 1), lambda i: (i, 0)),
            pl.BlockSpec((1, D), lambda i: (0, 0)),
            pl.BlockSpec((D, D), lambda i: (0, 0)),
        ],
        out_specs=pl.BlockSpec((BM, D), lambda i: (i, 0)),
        out_shape=jax.ShapeDtypeStruct((N, D), jnp.float32),
    )(q, q, y, dinv, b.reshape(1, D), w)


def _t3_body(q0, q1, y, dinv, b, fcw, fcb, out, acc):
    i = pl.program_id(0)

    @pl.when(i == 0)
    def _():
        acc[...] = jnp.zeros_like(acc)

    h = dinv[...] * (q0[0] + q1[0] + y[...]) + b[...]
    h = jnp.maximum(h, 0.0)
    acc[...] += jnp.sum(h, axis=0, keepdims=True)

    @pl.when(i == pl.num_programs(0) - 1)
    def _():
        g = acc[...] * (1.0 / N)
        logits = jnp.dot(g, fcw[...], preferred_element_type=jnp.float32) + fcb[...]
        m = jnp.max(logits, axis=1, keepdims=True)
        t = logits - m
        out[...] = t - jnp.log(jnp.sum(jnp.exp(t), axis=1, keepdims=True))


def _t3(q, y, dinv, b, fcw, fcb):
    grid = (N // BM,)
    return pl.pallas_call(
        _t3_body,
        grid=grid,
        in_specs=[
            pl.BlockSpec((1, BM, D), lambda i: (0, i, 0)),
            pl.BlockSpec((1, BM, D), lambda i: (1, i, 0)),
            pl.BlockSpec((BM, D), lambda i: (i, 0)),
            pl.BlockSpec((BM, 1), lambda i: (i, 0)),
            pl.BlockSpec((1, D), lambda i: (0, 0)),
            pl.BlockSpec((D, D), lambda i: (0, 0)),
            pl.BlockSpec((1, D), lambda i: (0, 0)),
        ],
        out_specs=pl.BlockSpec((1, D), lambda i: (0, 0)),
        out_shape=jax.ShapeDtypeStruct((1, D), jnp.float32),
        scratch_shapes=[pltpu.VMEM((1, D), jnp.float32)],
    )(q, q, y, dinv, b.reshape(1, D), fcw, fcb.reshape(1, D))



def kernel(x, edge_index, W1, b1, W2, b2, fc_W, fc_b):
    src = edge_index[0].astype(jnp.int32)
    dst = edge_index[1].astype(jnp.int32)
    e = src.shape[0]

    nch = -(-e // (NW * C))
    if nch % 2:
        nch += 1
    epad = NW * nch * C
    pad_n = epad - e
    if pad_n:
        pad_src = jnp.asarray((np.arange(pad_n) * 131) % N, jnp.int32)
        pad_dst = jnp.asarray(N + (np.arange(pad_n) % (NPAD - N)), jnp.int32)
        src = jnp.concatenate([src, pad_src])
        dst = jnp.concatenate([dst, pad_dst])
    srcp = src.reshape(NW, nch, 1, C)
    dstp = dst.reshape(NW, nch, 1, C)
    edges = jnp.concatenate([srcp, dstp], axis=2)
    dstp = dstp.reshape(NW, nch, C)

    zeros = jnp.zeros((NPAD, D), jnp.float32)
    zeros1 = jnp.zeros((NPAD, DW), jnp.float32)
    ones_c = jnp.ones((C2, DW), jnp.float32)

    nch2 = nch * C // C2
    deg_kernel = _make_deg(nch2)
    agg_kernel = _make_agg(nch)

    degp = deg_kernel(dstp.reshape(NW, nch2, C2), ones_c, zeros1)
    y1, dinv = _t1(degp, x, W1)
    q1 = agg_kernel(y1, edges, zeros)
    y2 = _t2(q1, y1, dinv, b1, W2)
    q2 = agg_kernel(y2, edges, zeros)
    return _t3(q2, y2, dinv, b2, fc_W, fc_b)

# --- scband reference (transcript-rebuilt; emitter-appended) ---
"""Pipeline reference for scband-gcn-5403068858399 (READ-ONLY COPY).

The authoritative reference and input builder live on the scoring server;
editing this copy changes nothing except your own understanding.
"""

import jax, jax.numpy as jnp
import numpy as np

N_NODES = 10000
D_IN = 128
D_HID = 128
D_OUT = 128
N_EDGES = 320000


def gcn_conv(x, src, dst, W, b, n_nodes):
    # x @ W first (PyG GCNConv applies linear transform before aggregation)
    xw = x @ W
    # add self loops
    loop = jnp.arange(n_nodes, dtype=src.dtype)
    src_full = jnp.concatenate([src, loop])
    dst_full = jnp.concatenate([dst, loop])
    # symmetric normalization: deg^{-1/2}[src] * deg^{-1/2}[dst]
    deg = jnp.zeros((n_nodes,), dtype=xw.dtype).at[dst_full].add(1.0)
    dinv = jnp.where(deg > 0, 1.0 / jnp.sqrt(deg), 0.0)
    norm = dinv[src_full] * dinv[dst_full]
    msgs = xw[src_full] * norm[:, None]
    out = jnp.zeros((n_nodes, xw.shape[1]), dtype=xw.dtype).at[dst_full].add(msgs)
    return out + b


def setup_inputs(seed: int = 0) -> dict:
    key = jax.random.key(seed)
    k1, k2, k3, k4, k5 = jax.random.split(key, 5)
    x = jax.random.normal(k1, (N_NODES, D_IN), dtype=jnp.float32)
    edge_index = jax.random.randint(k2, (2, N_EDGES), 0, N_NODES, dtype=jnp.int64)
    s1 = 1.0 / np.sqrt(D_IN)
    s2 = 1.0 / np.sqrt(D_HID)
    W1 = jax.random.uniform(k3, (D_IN, D_HID), dtype=jnp.float32, minval=-s1, maxval=s1)
    b1 = jnp.zeros((D_HID,), dtype=jnp.float32)
    W2 = jax.random.uniform(k4, (D_HID, D_HID), dtype=jnp.float32, minval=-s2, maxval=s2)
    b2 = jnp.zeros((D_HID,), dtype=jnp.float32)
    fc_W = jax.random.uniform(k5, (D_HID, D_OUT), dtype=jnp.float32, minval=-s2, maxval=s2)
    fc_b = jnp.zeros((D_OUT,), dtype=jnp.float32)
    return {"x": x, "edge_index": edge_index, "W1": W1, "b1": b1, "W2": W2, "b2": b2, "fc_W": fc_W, "fc_b": fc_b}


def reference(x, edge_index, W1, b1, W2, b2, fc_W, fc_b):
    src = edge_index[0]
    dst = edge_index[1]
    n = x.shape[0]
    h = gcn_conv(x, src, dst, W1, b1, n)
    h = jax.nn.relu(h)
    # dropout is identity in eval/deterministic mode
    h = gcn_conv(h, src, dst, W2, b2, n)
    h = jax.nn.relu(h)
    g = jnp.mean(h, axis=0)[None, :]
    logits = g @ fc_W + fc_b
    return jax.nn.log_softmax(logits, axis=1)

if __name__ == "__main__":
    import jax
    _d = setup_inputs()
    print(jax.jit(kernel)(*tuple(_d.values())))

</pallas_src>

<mosaic_0001>
#map = affine_map<(d0, d1) -> (0, 0)>
#map1 = affine_map<(d0, d1) -> (0, 0, 0, 0)>
#map2 = affine_map<(d0, d1) -> (0, 0, 0)>
module attributes {stable_mosaic.version = 14 : i64} {
  func.func @agg_kernel(%arg0: i32, %arg1: i32, %arg2: memref<10000x128xf32, #tpu.memory_space<hbm>>, %arg3: memref<32x158x2x64xi32, #tpu.memory_space<hbm>>, %arg4: memref<10240x128xf32, #tpu.memory_space<hbm>>, %arg5: memref<2x10240x128xf32, #tpu.memory_space<hbm>>, %arg6: memref<10240x128xf32, #tpu.memory_space<vmem_shared>>, %arg7: memref<3x!tpu.dma_semaphore, #tpu.memory_space<semaphore_mem>>, %arg8: memref<3x!tpu.dma_semaphore, #tpu.memory_space<semaphore_mem>>, %arg9: memref<!tpu.dma_semaphore, #tpu.memory_space<semaphore_mem>>) attributes {dimension_semantics = [#tpu.dimension_semantics<core_parallel>, #tpu.dimension_semantics<subcore_parallel>], iteration_bounds = array<i64: 2, 16>, scalar_prefetch = 0 : i64, scratch_operands = 4 : i64, tpu.core_type = #tpu.core_type<sc_vector_subcore>, window_params = [{transform_indices = #map}, {transform_indices = #map1}, {transform_indices = #map}, {transform_indices = #map2}]} {
    %mul3A = arith.constant 16 : i32
    %mul3A_0 = arith.muli %arg0, %mul3A : i32
    %add3A = arith.addi %mul3A_0, %arg1 : i32
    %mul3A_1 = arith.constant 640 : i32
    %mul3A_2 = arith.muli %arg1, %mul3A_1 : i32
    "tpu.region"() ({
      %run_scoped3A = memref.alloca() : memref<158x2x64xi32, #tpu.memory_space<vmem>>
      %run_scoped3A_3 = memref.alloca() : memref<3x64x128xf32, #tpu.memory_space<vmem>>
      "tpu.region"() ({
        %run_scoped3A_40 = tpu.sem_alloc : memref<!tpu.dma_semaphore, #tpu.memory_space<semaphore_mem>>
        %dma_start3A = arith.constant 0 : i32
        %dma_start3A_41 = arith.constant 0 : i32
        %dma_start3A_42 = arith.constant 0 : i32
        %dma_start3A_43 = tpu.memref_slice %arg3[%add3A, %dma_start3A, %dma_start3A_41, %dma_start3A_42] : memref<32x158x2x64xi32, #tpu.memory_space<hbm>> -> memref<1x158x2x64xi32, #tpu.memory_space<hbm>>
        %dma_start3A_44 = tpu.memref_squeeze %dma_start3A_43 : memref<1x158x2x64xi32, #tpu.memory_space<hbm>> -> memref<158x2x64xi32, #tpu.memory_space<hbm>>
        %dma_start3A_45 = arith.constant 0 : i32
        %dma_start3A_46 = arith.constant 0 : i32
        %dma_start3A_47 = arith.constant 0 : i32
        %dma_start3A_48 = tpu.memref_slice %arg3[%add3A, %dma_start3A_45, %dma_start3A_46, %dma_start3A_47] : memref<32x158x2x64xi32, #tpu.memory_space<hbm>> -> memref<1x158x2x64xi32, #tpu.memory_space<hbm>>
        %dma_start3A_49 = tpu.memref_squeeze %dma_start3A_48 : memref<1x158x2x64xi32, #tpu.memory_space<hbm>> -> memref<158x2x64xi32, #tpu.memory_space<hbm>>
        tpu.enqueue_dma source(%dma_start3A_49 : memref<158x2x64xi32, #tpu.memory_space<hbm>>) target(%run_scoped3A : memref<158x2x64xi32, #tpu.memory_space<vmem>>) target_semaphore(%run_scoped3A_40 : memref<!tpu.dma_semaphore, #tpu.memory_space<semaphore_mem>>)
        %dma_wait3A = arith.constant 0 : i32
        %dma_wait3A_50 = arith.constant 0 : i32
        %dma_wait3A_51 = arith.constant 0 : i32
        %dma_wait3A_52 = tpu.memref_slice %arg3[%add3A, %dma_wait3A, %dma_wait3A_50, %dma_wait3A_51] : memref<32x158x2x64xi32, #tpu.memory_space<hbm>> -> memref<1x158x2x64xi32, #tpu.memory_space<hbm>>
        %dma_wait3A_53 = tpu.memref_squeeze %dma_wait3A_52 : memref<1x158x2x64xi32, #tpu.memory_space<hbm>> -> memref<158x2x64xi32, #tpu.memory_space<hbm>>
        %dma_wait3A_54 = arith.constant 0 : i32
        %dma_wait3A_55 = arith.constant 0 : i32
        %dma_wait3A_56 = arith.constant 0 : i32
        %dma_wait3A_57 = tpu.memref_slice %arg3[%add3A, %dma_wait3A_54, %dma_wait3A_55, %dma_wait3A_56] : memref<32x158x2x64xi32, #tpu.memory_space<hbm>> -> memref<1x158x2x64xi32, #tpu.memory_space<hbm>>
        %dma_wait3A_58 = tpu.memref_squeeze %dma_wait3A_57 : memref<1x158x2x64xi32, #tpu.memory_space<hbm>> -> memref<158x2x64xi32, #tpu.memory_space<hbm>>
        tpu.wait_dma2 semaphore(%run_scoped3A_40 : memref<!tpu.dma_semaphore, #tpu.memory_space<semaphore_mem>>) src(%dma_wait3A_58 : memref<158x2x64xi32, #tpu.memory_space<hbm>>) dst(%run_scoped3A : memref<158x2x64xi32, #tpu.memory_space<vmem>>)
        tpu.yield
      }) : () -> ()
      %scan3A = arith.constant 0 : i32
      %scan3A_4 = arith.constant 0 : i32
      %scan3A_5 = arith.constant 10 : i32
      %scan3A_6 = arith.addi %scan3A_4, %scan3A_5 : i32
      %scan3A_7 = arith.constant 1 : i32
      scf.for %scan3A_40 = %scan3A_4 to %scan3A_6 step %scan3A_7  : i32 {
        %mul3A_41 = arith.constant 64 : i32
        %mul3A_42 = arith.muli %scan3A_40, %mul3A_41 : i32
        %add3A_43 = arith.addi %mul3A_2, %mul3A_42 : i32
        %dma_start3A = arith.constant 0 : i32
        %dma_start3A_44 = tpu.memref_slice %arg6[%add3A_43, %dma_start3A] : memref<10240x128xf32, #tpu.memory_space<vmem_shared>> -> memref<64x128xf32, #tpu.memory_space<vmem_shared>>
        %dma_start3A_45 = arith.constant 0 : i32
        %dma_start3A_46 = tpu.memref_slice %arg4[%add3A_43, %dma_start3A_45] : memref<10240x128xf32, #tpu.memory_space<hbm>> -> memref<64x128xf32, #tpu.memory_space<hbm>>
        tpu.enqueue_dma source(%dma_start3A_46 : memref<64x128xf32, #tpu.memory_space<hbm>>) target(%dma_start3A_44 : memref<64x128xf32, #tpu.memory_space<vmem_shared>>) target_semaphore(%arg9 : memref<!tpu.dma_semaphore, #tpu.memory_space<semaphore_mem>>)
      }
      %scan3A_8 = arith.constant 10 : i32
      %scan3A_9 = arith.constant 0 : i32
      %scan3A_10 = arith.constant 0 : i32
      %scan3A_11 = arith.constant 10 : i32
      %scan3A_12 = arith.addi %scan3A_10, %scan3A_11 : i32
      %scan3A_13 = arith.constant 1 : i32
      scf.for %scan3A_40 = %scan3A_10 to %scan3A_12 step %scan3A_13  : i32 {
        %dma_wait3A = arith.constant 0 : i32
        %dma_wait3A_41 = tpu.memref_slice %arg6[%mul3A_2, %dma_wait3A] : memref<10240x128xf32, #tpu.memory_space<vmem_shared>> -> memref<64x128xf32, #tpu.memory_space<vmem_shared>>
        %dma_wait3A_42 = arith.constant 0 : i32
        %dma_wait3A_43 = tpu.memref_slice %arg4[%mul3A_2, %dma_wait3A_42] : memref<10240x128xf32, #tpu.memory_space<hbm>> -> memref<64x128xf32, #tpu.memory_space<hbm>>
        tpu.wait_dma2 semaphore(%arg9 : memref<!tpu.dma_semaphore, #tpu.memory_space<semaphore_mem>>) src(%dma_wait3A_43 : memref<64x128xf32, #tpu.memory_space<hbm>>) dst(%dma_wait3A_41 : memref<64x128xf32, #tpu.memory_space<vmem_shared>>)
      }
      %scan3A_14 = arith.constant 10 : i32
      %barrier3A = arith.constant 0 : index
      tpu.barrier barrier_id(%barrier3A)
      %scan3A_15 = arith.constant 0 : i32
      %scan3A_16 = arith.constant 0 : i32
      %scan3A_17 = arith.constant 159 : i32
      %scan3A_18 = arith.addi %scan3A_16, %scan3A_17 : i32
      %scan3A_19 = arith.constant 1 : i32
      scf.for %scan3A_40 = %scan3A_16 to %scan3A_18 step %scan3A_19  : i32 {
        %rem3A = arith.constant 3 : i32
        %rem3A_41 = arith.remsi %scan3A_40, %rem3A : i32
        %ge3A = arith.constant 3 : i32
        %ge3A_42 = arith.cmpi sge, %scan3A_40, %ge3A : i32
        %convert_element_type3A = arith.extui %ge3A_42 : i1 to i32
        %cond3A = arith.constant 0 : i32
        %cond3A_43 = arith.cmpi ne, %convert_element_type3A, %cond3A : i32
        scf.if %cond3A_43 {
          %dma_wait3A = arith.constant 0 : i32
          %dma_wait3A_53 = arith.constant 0 : i32
          %dma_wait3A_54 = tpu.memref_slice %run_scoped3A_3[%rem3A_41, %dma_wait3A, %dma_wait3A_53] : memref<3x64x128xf32, #tpu.memory_space<vmem>> -> memref<1x64x128xf32, #tpu.memory_space<vmem>>
          %dma_wait3A_55 = tpu.memref_squeeze %dma_wait3A_54 : memref<1x64x128xf32, #tpu.memory_space<vmem>> -> memref<64x128xf32, #tpu.memory_space<vmem>>
          %dma_wait3A_56 = arith.constant 0 : i32
          %dma_wait3A_57 = arith.constant 0 : i32
          %dma_wait3A_58 = tpu.memref_slice %arg2[%dma_wait3A_56, %dma_wait3A_57] : memref<10000x128xf32, #tpu.memory_space<hbm>> -> memref<64x128xf32, #tpu.memory_space<hbm>>
          %dma_wait3A_59 = tpu.memref_slice %arg8[%rem3A_41] : memref<3x!tpu.dma_semaphore, #tpu.memory_space<semaphore_mem>> -> memref<1x!tpu.dma_semaphore, #tpu.memory_space<semaphore_mem>>
          %dma_wait3A_60 = tpu.memref_squeeze %dma_wait3A_59 : memref<1x!tpu.dma_semaphore, #tpu.memory_space<semaphore_mem>> -> memref<!tpu.dma_semaphore, #tpu.memory_space<semaphore_mem>>
          %dma_wait3A_61 = arith.constant 0 : i32
          %dma_wait3A_62 = arith.constant 0 : i32
          %dma_wait3A_63 = tpu.memref_slice %run_scoped3A_3[%rem3A_41, %dma_wait3A_61, %dma_wait3A_62] : memref<3x64x128xf32, #tpu.memory_space<vmem>> -> memref<1x64x128xf32, #tpu.memory_space<vmem>>
          %dma_wait3A_64 = tpu.memref_squeeze %dma_wait3A_63 : memref<1x64x128xf32, #tpu.memory_space<vmem>> -> memref<64x128xf32, #tpu.memory_space<vmem>>
          %dma_wait3A_65 = arith.constant 0 : i32
          %dma_wait3A_66 = arith.constant 0 : i32
          %dma_wait3A_67 = tpu.memref_slice %arg2[%dma_wait3A_65, %dma_wait3A_66] : memref<10000x128xf32, #tpu.memory_space<hbm>> -> memref<64x128xf32, #tpu.memory_space<hbm>>
          tpu.wait_dma2 semaphore(%dma_wait3A_60 : memref<!tpu.dma_semaphore, #tpu.memory_space<semaphore_mem>>) src(%dma_wait3A_67 : memref<64x128xf32, #tpu.memory_space<hbm>>) dst(%dma_wait3A_64 : memref<64x128xf32, #tpu.memory_space<vmem>>)
        } else {
        }
        %lt3A = arith.constant 158 : i32
        %lt3A_44 = arith.cmpi slt, %scan3A_40, %lt3A : i32
        %convert_element_type3A_45 = arith.extui %lt3A_44 : i1 to i32
        %cond3A_46 = arith.constant 0 : i32
        %cond3A_47 = arith.cmpi ne, %convert_element_type3A_45, %cond3A_46 : i32
        scf.if %cond3A_47 {
          %dma_start3A = arith.constant 0 : i32
          %dma_start3A_53 = arith.constant 0 : i32
          %dma_start3A_54 = arith.constant 0 : i32
          %dma_start3A_55 = tpu.memref_slice %run_scoped3A_3[%rem3A_41, %dma_start3A_53, %dma_start3A_54] : memref<3x64x128xf32, #tpu.memory_space<vmem>> -> memref<1x64x128xf32, #tpu.memory_space<vmem>>
          %dma_start3A_56 = tpu.memref_squeeze %dma_start3A_55 : memref<1x64x128xf32, #tpu.memory_space<vmem>> -> memref<64x128xf32, #tpu.memory_space<vmem>>
          %dma_start3A_57 = arith.constant 0 : i32
          %dma_start3A_58 = tpu.memref_slice %run_scoped3A[%scan3A_40, %dma_start3A, %dma_start3A_57] : memref<158x2x64xi32, #tpu.memory_space<vmem>> -> memref<1x1x64xi32, #tpu.memory_space<vmem>>
          %dma_start3A_59 = tpu.memref_squeeze %dma_start3A_58 : memref<1x1x64xi32, #tpu.memory_space<vmem>> -> memref<64xi32, #tpu.memory_space<vmem>>
          %dma_start3A_60 = arith.constant 0 : i32
          %dma_start3A_61 = arith.constant 0 : i32
          %dma_start3A_62 = tpu.memref_slice %arg2[%dma_start3A_60, %dma_start3A_61] : memref<10000x128xf32, #tpu.memory_space<hbm>> -> memref<10000x128xf32, #tpu.memory_space<hbm>>
          %dma_start3A_63 = tpu.memref_slice %arg7[%rem3A_41] : memref<3x!tpu.dma_semaphore, #tpu.memory_space<semaphore_mem>> -> memref<1x!tpu.dma_semaphore, #tpu.memory_space<semaphore_mem>>
          %dma_start3A_64 = tpu.memref_squeeze %dma_start3A_63 : memref<1x!tpu.dma_semaphore, #tpu.memory_space<semaphore_mem>> -> memref<!tpu.dma_semaphore, #tpu.memory_space<semaphore_mem>>
          tpu.enqueue_indirect_dma source(%dma_start3A_62 : memref<10000x128xf32, #tpu.memory_space<hbm>>) target(%dma_start3A_56 : memref<64x128xf32, #tpu.memory_space<vmem>>) offsets(%dma_start3A_59 : memref<64xi32, #tpu.memory_space<vmem>>) semaphore(%dma_start3A_64 : memref<!tpu.dma_semaphore, #tpu.memory_space<semaphore_mem>>)
        } else {
        }
        %ge3A_48 = arith.constant 1 : i32
        %ge3A_49 = arith.cmpi sge, %scan3A_40, %ge3A_48 : i32
        %convert_element_type3A_50 = arith.extui %ge3A_49 : i1 to i32
        %cond3A_51 = arith.constant 0 : i32
        %cond3A_52 = arith.cmpi ne, %convert_element_type3A_50, %cond3A_51 : i32
        scf.if %cond3A_52 {
          %sub3A = arith.constant 1 : i32
          %sub3A_53 = arith.subi %scan3A_40, %sub3A : i32
          %rem3A_54 = arith.constant 3 : i32
          %rem3A_55 = arith.remsi %sub3A_53, %rem3A_54 : i32
          %dma_wait3A = arith.constant 0 : i32
          %dma_wait3A_56 = arith.constant 0 : i32
          %dma_wait3A_57 = tpu.memref_slice %run_scoped3A_3[%rem3A_55, %dma_wait3A, %dma_wait3A_56] : memref<3x64x128xf32, #tpu.memory_space<vmem>> -> memref<1x64x128xf32, #tpu.memory_space<vmem>>
          %dma_wait3A_58 = tpu.memref_squeeze %dma_wait3A_57 : memref<1x64x128xf32, #tpu.memory_space<vmem>> -> memref<64x128xf32, #tpu.memory_space<vmem>>
          %dma_wait3A_59 = arith.constant 0 : i32
          %dma_wait3A_60 = arith.constant 0 : i32
          %dma_wait3A_61 = tpu.memref_slice %arg2[%dma_wait3A_59, %dma_wait3A_60] : memref<10000x128xf32, #tpu.memory_space<hbm>> -> memref<64x128xf32, #tpu.memory_space<hbm>>
          %dma_wait3A_62 = tpu.memref_slice %arg7[%rem3A_55] : memref<3x!tpu.dma_semaphore, #tpu.memory_space<semaphore_mem>> -> memref<1x!tpu.dma_semaphore, #tpu.memory_space<semaphore_mem>>
          %dma_wait3A_63 = tpu.memref_squeeze %dma_wait3A_62 : memref<1x!tpu.dma_semaphore, #tpu.memory_space<semaphore_mem>> -> memref<!tpu.dma_semaphore, #tpu.memory_space<semaphore_mem>>
          %dma_wait3A_64 = arith.constant 0 : i32
          %dma_wait3A_65 = arith.constant 0 : i32
          %dma_wait3A_66 = tpu.memref_slice %run_scoped3A_3[%rem3A_55, %dma_wait3A_64, %dma_wait3A_65] : memref<3x64x128xf32, #tpu.memory_space<vmem>> -> memref<1x64x128xf32, #tpu.memory_space<vmem>>
          %dma_wait3A_67 = tpu.memref_squeeze %dma_wait3A_66 : memref<1x64x128xf32, #tpu.memory_space<vmem>> -> memref<64x128xf32, #tpu.memory_space<vmem>>
          %dma_wait3A_68 = arith.constant 0 : i32
          %dma_wait3A_69 = arith.constant 0 : i32
          %dma_wait3A_70 = tpu.memref_slice %arg2[%dma_wait3A_68, %dma_wait3A_69] : memref<10000x128xf32, #tpu.memory_space<hbm>> -> memref<64x128xf32, #tpu.memory_space<hbm>>
          tpu.wait_dma2 semaphore(%dma_wait3A_63 : memref<!tpu.dma_semaphore, #tpu.memory_space<semaphore_mem>>) src(%dma_wait3A_70 : memref<64x128xf32, #tpu.memory_space<hbm>>) dst(%dma_wait3A_67 : memref<64x128xf32, #tpu.memory_space<vmem>>)
          %dma_start3A = arith.constant 1 : i32
          %dma_start3A_71 = arith.constant 0 : i32
          %dma_start3A_72 = arith.constant 0 : i32
          %dma_start3A_73 = tpu.memref_slice %run_scoped3A_3[%rem3A_55, %dma_start3A_71, %dma_start3A_72] : memref<3x64x128xf32, #tpu.memory_space<vmem>> -> memref<1x64x128xf32, #tpu.memory_space<vmem>>
          %dma_start3A_74 = tpu.memref_squeeze %dma_start3A_73 : memref<1x64x128xf32, #tpu.memory_space<vmem>> -> memref<64x128xf32, #tpu.memory_space<vmem>>
          %dma_start3A_75 = arith.constant 0 : i32
          %dma_start3A_76 = tpu.memref_slice %run_scoped3A[%sub3A_53, %dma_start3A, %dma_start3A_75] : memref<158x2x64xi32, #tpu.memory_space<vmem>> -> memref<1x1x64xi32, #tpu.memory_space<vmem>>
          %dma_start3A_77 = tpu.memref_squeeze %dma_start3A_76 : memref<1x1x64xi32, #tpu.memory_space<vmem>> -> memref<64xi32, #tpu.memory_space<vmem>>
          %dma_start3A_78 = arith.constant 0 : i32
          %dma_start3A_79 = arith.constant 0 : i32
          %dma_start3A_80 = tpu.memref_slice %arg6[%dma_start3A_78, %dma_start3A_79] : memref<10240x128xf32, #tpu.memory_space<vmem_shared>> -> memref<10240x128xf32, #tpu.memory_space<vmem_shared>>
          %dma_start3A_81 = tpu.memref_slice %arg8[%rem3A_55] : memref<3x!tpu.dma_semaphore, #tpu.memory_space<semaphore_mem>> -> memref<1x!tpu.dma_semaphore, #tpu.memory_space<semaphore_mem>>
          %dma_start3A_82 = tpu.memref_squeeze %dma_start3A_81 : memref<1x!tpu.dma_semaphore, #tpu.memory_space<semaphore_mem>> -> memref<!tpu.dma_semaphore, #tpu.memory_space<semaphore_mem>>
          tpu.enqueue_indirect_dma source(%dma_start3A_74 : memref<64x128xf32, #tpu.memory_space<vmem>>) target(%dma_start3A_80 : memref<10240x128xf32, #tpu.memory_space<vmem_shared>>) offsets(%dma_start3A_77 : memref<64xi32, #tpu.memory_space<vmem>>) semaphore(%dma_start3A_82 : memref<!tpu.dma_semaphore, #tpu.memory_space<semaphore_mem>>) {add = true}
        } else {
        }
      }
      %scan3A_20 = arith.constant 159 : i32
      %scan3A_21 = arith.constant 0 : i32
      %scan3A_22 = arith.constant 0 : i32
      %scan3A_23 = arith.constant 2 : i32
      %scan3A_24 = arith.addi %scan3A_22, %scan3A_23 : i32
      %scan3A_25 = arith.constant 1 : i32
      scf.for %scan3A_40 = %scan3A_22 to %scan3A_24 step %scan3A_25  : i32 {
        %add3A_41 = arith.constant 156 : i32
        %add3A_42 = arith.addi %add3A_41, %scan3A_40 : i32
        %rem3A = arith.constant 3 : i32
        %rem3A_43 = arith.remsi %add3A_42, %rem3A : i32
        %dma_wait3A = arith.constant 0 : i32
        %dma_wait3A_44 = arith.constant 0 : i32
        %dma_wait3A_45 = tpu.memref_slice %run_scoped3A_3[%rem3A_43, %dma_wait3A, %dma_wait3A_44] : memref<3x64x128xf32, #tpu.memory_space<vmem>> -> memref<1x64x128xf32, #tpu.memory_space<vmem>>
        %dma_wait3A_46 = tpu.memref_squeeze %dma_wait3A_45 : memref<1x64x128xf32, #tpu.memory_space<vmem>> -> memref<64x128xf32, #tpu.memory_space<vmem>>
        %dma_wait3A_47 = arith.constant 0 : i32
        %dma_wait3A_48 = arith.constant 0 : i32
        %dma_wait3A_49 = tpu.memref_slice %arg2[%dma_wait3A_47, %dma_wait3A_48] : memref<10000x128xf32, #tpu.memory_space<hbm>> -> memref<64x128xf32, #tpu.memory_space<hbm>>
        %dma_wait3A_50 = tpu.memref_slice %arg8[%rem3A_43] : memref<3x!tpu.dma_semaphore, #tpu.memory_space<semaphore_mem>> -> memref<1x!tpu.dma_semaphore, #tpu.memory_space<semaphore_mem>>
        %dma_wait3A_51 = tpu.memref_squeeze %dma_wait3A_50 : memref<1x!tpu.dma_semaphore, #tpu.memory_space<semaphore_mem>> -> memref<!tpu.dma_semaphore, #tpu.memory_space<semaphore_mem>>
        %dma_wait3A_52 = arith.constant 0 : i32
        %dma_wait3A_53 = arith.constant 0 : i32
        %dma_wait3A_54 = tpu.memref_slice %run_scoped3A_3[%rem3A_43, %dma_wait3A_52, %dma_wait3A_53] : memref<3x64x128xf32, #tpu.memory_space<vmem>> -> memref<1x64x128xf32, #tpu.memory_space<vmem>>
        %dma_wait3A_55 = tpu.memref_squeeze %dma_wait3A_54 : memref<1x64x128xf32, #tpu.memory_space<vmem>> -> memref<64x128xf32, #tpu.memory_space<vmem>>
        %dma_wait3A_56 = arith.constant 0 : i32
        %dma_wait3A_57 = arith.constant 0 : i32
        %dma_wait3A_58 = tpu.memref_slice %arg2[%dma_wait3A_56, %dma_wait3A_57] : memref<10000x128xf32, #tpu.memory_space<hbm>> -> memref<64x128xf32, #tpu.memory_space<hbm>>
        tpu.wait_dma2 semaphore(%dma_wait3A_51 : memref<!tpu.dma_semaphore, #tpu.memory_space<semaphore_mem>>) src(%dma_wait3A_58 : memref<64x128xf32, #tpu.memory_space<hbm>>) dst(%dma_wait3A_55 : memref<64x128xf32, #tpu.memory_space<vmem>>)
      }
      %scan3A_26 = arith.constant 2 : i32
      %barrier3A_27 = arith.constant 0 : index
      tpu.barrier barrier_id(%barrier3A_27)
      %scan3A_28 = arith.constant 0 : i32
      %scan3A_29 = arith.constant 0 : i32
      %scan3A_30 = arith.constant 10 : i32
      %scan3A_31 = arith.addi %scan3A_29, %scan3A_30 : i32
      %scan3A_32 = arith.constant 1 : i32
      scf.for %scan3A_40 = %scan3A_29 to %scan3A_31 step %scan3A_32  : i32 {
        %mul3A_41 = arith.constant 64 : i32
        %mul3A_42 = arith.muli %scan3A_40, %mul3A_41 : i32
        %add3A_43 = arith.addi %mul3A_2, %mul3A_42 : i32
        %dma_start3A = arith.constant 0 : i32
        %dma_start3A_44 = tpu.memref_slice %arg5[%arg0, %add3A_43, %dma_start3A] : memref<2x10240x128xf32, #tpu.memory_space<hbm>> -> memref<1x64x128xf32, #tpu.memory_space<hbm>>
        %dma_start3A_45 = tpu.memref_squeeze %dma_start3A_44 : memref<1x64x128xf32, #tpu.memory_space<hbm>> -> memref<64x128xf32, #tpu.memory_space<hbm>>
        %dma_start3A_46 = arith.constant 0 : i32
        %dma_start3A_47 = tpu.memref_slice %arg6[%add3A_43, %dma_start3A_46] : memref<10240x128xf32, #tpu.memory_space<vmem_shared>> -> memref<64x128xf32, #tpu.memory_space<vmem_shared>>
        tpu.enqueue_dma source(%dma_start3A_47 : memref<64x128xf32, #tpu.memory_space<vmem_shared>>) target(%dma_start3A_45 : memref<64x128xf32, #tpu.memory_space<hbm>>) target_semaphore(%arg9 : memref<!tpu.dma_semaphore, #tpu.memory_space<semaphore_mem>>)
      }
      %scan3A_33 = arith.constant 10 : i32
      %scan3A_34 = arith.constant 0 : i32
      %scan3A_35 = arith.constant 0 : i32
      %scan3A_36 = arith.constant 10 : i32
      %scan3A_37 = arith.addi %scan3A_35, %scan3A_36 : i32
      %scan3A_38 = arith.constant 1 : i32
      scf.for %scan3A_40 = %scan3A_35 to %scan3A_37 step %scan3A_38  : i32 {
        %dma_wait3A = arith.constant 0 : i32
        %dma_wait3A_41 = tpu.memref_slice %arg5[%arg0, %mul3A_2, %dma_wait3A] : memref<2x10240x128xf32, #tpu.memory_space<hbm>> -> memref<1x64x128xf32, #tpu.memory_space<hbm>>
        %dma_wait3A_42 = tpu.memref_squeeze %dma_wait3A_41 : memref<1x64x128xf32, #tpu.memory_space<hbm>> -> memref<64x128xf32, #tpu.memory_space<hbm>>
        %dma_wait3A_43 = arith.constant 0 : i32
        %dma_wait3A_44 = tpu.memref_slice %arg6[%mul3A_2, %dma_wait3A_43] : memref<10240x128xf32, #tpu.memory_space<vmem_shared>> -> memref<64x128xf32, #tpu.memory_space<vmem_shared>>
        tpu.wait_dma2 semaphore(%arg9 : memref<!tpu.dma_semaphore, #tpu.memory_space<semaphore_mem>>) src(%dma_wait3A_44 : memref<64x128xf32, #tpu.memory_space<vmem_shared>>) dst(%dma_wait3A_42 : memref<64x128xf32, #tpu.memory_space<hbm>>)
      }
      %scan3A_39 = arith.constant 10 : i32
      tpu.yield
    }) : () -> ()
    return
  }
}

#map = affine_map<(d0, d1) -> (0, 0, 0)>
#map1 = affine_map<(d0, d1) -> (0, 0)>
module attributes {stable_mosaic.version = 14 : i64} {
  func.func @deg_kernel(%arg0: i32, %arg1: i32, %arg2: memref<32x79x128xi32, #tpu.memory_space<hbm>>, %arg3: memref<128x16xf32, #tpu.memory_space<hbm>>, %arg4: memref<10240x16xf32, #tpu.memory_space<hbm>>, %arg5: memref<2x10240x16xf32, #tpu.memory_space<hbm>>, %arg6: memref<79x128xi32, #tpu.memory_space<vmem>>, %arg7: memref<128x16xf32, #tpu.memory_space<vmem>>, %arg8: memref<10240x16xf32, #tpu.memory_space<vmem_shared>>, %arg9: memref<2x!tpu.dma_semaphore, #tpu.memory_space<semaphore_mem>>) attributes {dimension_semantics = [#tpu.dimension_semantics<core_parallel>, #tpu.dimension_semantics<subcore_parallel>], iteration_bounds = array<i64: 2, 16>, scalar_prefetch = 0 : i64, scratch_operands = 4 : i64, tpu.core_type = #tpu.core_type<sc_vector_subcore>, window_params = [{transform_indices = #map}, {transform_indices = #map1}, {transform_indices = #map1}, {transform_indices = #map}]} {
    %mul3A = arith.constant 16 : i32
    %mul3A_0 = arith.muli %arg0, %mul3A : i32
    %add3A = arith.addi %mul3A_0, %arg1 : i32
    "tpu.region"() ({
      %run_scoped3A = tpu.sem_alloc : memref<!tpu.dma_semaphore, #tpu.memory_space<semaphore_mem>>
      %dma_start3A = arith.constant 0 : i32
      %dma_start3A_15 = arith.constant 0 : i32
      %dma_start3A_16 = tpu.memref_slice %arg2[%add3A, %dma_start3A, %dma_start3A_15] : memref<32x79x128xi32, #tpu.memory_space<hbm>> -> memref<1x79x128xi32, #tpu.memory_space<hbm>>
      %dma_start3A_17 = tpu.memref_squeeze %dma_start3A_16 : memref<1x79x128xi32, #tpu.memory_space<hbm>> -> memref<79x128xi32, #tpu.memory_space<hbm>>
      %dma_start3A_18 = arith.constant 0 : i32
      %dma_start3A_19 = arith.constant 0 : i32
      %dma_start3A_20 = tpu.memref_slice %arg2[%add3A, %dma_start3A_18, %dma_start3A_19] : memref<32x79x128xi32, #tpu.memory_space<hbm>> -> memref<1x79x128xi32, #tpu.memory_space<hbm>>
      %dma_start3A_21 = tpu.memref_squeeze %dma_start3A_20 : memref<1x79x128xi32, #tpu.memory_space<hbm>> -> memref<79x128xi32, #tpu.memory_space<hbm>>
      tpu.enqueue_dma source(%dma_start3A_21 : memref<79x128xi32, #tpu.memory_space<hbm>>) target(%arg6 : memref<79x128xi32, #tpu.memory_space<vmem>>) target_semaphore(%run_scoped3A : memref<!tpu.dma_semaphore, #tpu.memory_space<semaphore_mem>>)
      %dma_wait3A = arith.constant 0 : i32
      %dma_wait3A_22 = arith.constant 0 : i32
      %dma_wait3A_23 = tpu.memref_slice %arg2[%add3A, %dma_wait3A, %dma_wait3A_22] : memref<32x79x128xi32, #tpu.memory_space<hbm>> -> memref<1x79x128xi32, #tpu.memory_space<hbm>>
      %dma_wait3A_24 = tpu.memref_squeeze %dma_wait3A_23 : memref<1x79x128xi32, #tpu.memory_space<hbm>> -> memref<79x128xi32, #tpu.memory_space<hbm>>
      %dma_wait3A_25 = arith.constant 0 : i32
      %dma_wait3A_26 = arith.constant 0 : i32
      %dma_wait3A_27 = tpu.memref_slice %arg2[%add3A, %dma_wait3A_25, %dma_wait3A_26] : memref<32x79x128xi32, #tpu.memory_space<hbm>> -> memref<1x79x128xi32, #tpu.memory_space<hbm>>
      %dma_wait3A_28 = tpu.memref_squeeze %dma_wait3A_27 : memref<1x79x128xi32, #tpu.memory_space<hbm>> -> memref<79x128xi32, #tpu.memory_space<hbm>>
      tpu.wait_dma2 semaphore(%run_scoped3A : memref<!tpu.dma_semaphore, #tpu.memory_space<semaphore_mem>>) src(%dma_wait3A_28 : memref<79x128xi32, #tpu.memory_space<hbm>>) dst(%arg6 : memref<79x128xi32, #tpu.memory_space<vmem>>)
      tpu.yield
    }) : () -> ()
    "tpu.region"() ({
      %run_scoped3A = tpu.sem_alloc : memref<!tpu.dma_semaphore, #tpu.memory_space<semaphore_mem>>
      tpu.enqueue_dma source(%arg3 : memref<128x16xf32, #tpu.memory_space<hbm>>) target(%arg7 : memref<128x16xf32, #tpu.memory_space<vmem>>) target_semaphore(%run_scoped3A : memref<!tpu.dma_semaphore, #tpu.memory_space<semaphore_mem>>)
      tpu.wait_dma2 semaphore(%run_scoped3A : memref<!tpu.dma_semaphore, #tpu.memory_space<semaphore_mem>>) src(%arg3 : memref<128x16xf32, #tpu.memory_space<hbm>>) dst(%arg7 : memref<128x16xf32, #tpu.memory_space<vmem>>)
      tpu.yield
    }) : () -> ()
    %mul3A_1 = arith.constant 640 : i32
    %mul3A_2 = arith.muli %arg1, %mul3A_1 : i32
    "tpu.region"() ({
      %run_scoped3A = tpu.sem_alloc : memref<!tpu.dma_semaphore, #tpu.memory_space<semaphore_mem>>
      %dma_start3A = arith.constant 0 : i32
      %dma_start3A_15 = tpu.memref_slice %arg8[%mul3A_2, %dma_start3A] : memref<10240x16xf32, #tpu.memory_space<vmem_shared>> -> memref<640x16xf32, #tpu.memory_space<vmem_shared>>
      %dma_start3A_16 = arith.constant 0 : i32
      %dma_start3A_17 = tpu.memref_slice %arg4[%mul3A_2, %dma_start3A_16] : memref<10240x16xf32, #tpu.memory_space<hbm>> -> memref<640x16xf32, #tpu.memory_space<hbm>>
      tpu.enqueue_dma source(%dma_start3A_17 : memref<640x16xf32, #tpu.memory_space<hbm>>) target(%dma_start3A_15 : memref<640x16xf32, #tpu.memory_space<vmem_shared>>) target_semaphore(%run_scoped3A : memref<!tpu.dma_semaphore, #tpu.memory_space<semaphore_mem>>)
      %dma_wait3A = arith.constant 0 : i32
      %dma_wait3A_18 = tpu.memref_slice %arg8[%mul3A_2, %dma_wait3A] : memref<10240x16xf32, #tpu.memory_space<vmem_shared>> -> memref<640x16xf32, #tpu.memory_space<vmem_shared>>
      %dma_wait3A_19 = arith.constant 0 : i32
      %dma_wait3A_20 = tpu.memref_slice %arg4[%mul3A_2, %dma_wait3A_19] : memref<10240x16xf32, #tpu.memory_space<hbm>> -> memref<640x16xf32, #tpu.memory_space<hbm>>
      tpu.wait_dma2 semaphore(%run_scoped3A : memref<!tpu.dma_semaphore, #tpu.memory_space<semaphore_mem>>) src(%dma_wait3A_20 : memref<640x16xf32, #tpu.memory_space<hbm>>) dst(%dma_wait3A_18 : memref<640x16xf32, #tpu.memory_space<vmem_shared>>)
      tpu.yield
    }) : () -> ()
    %barrier3A = arith.constant 0 : index
    tpu.barrier barrier_id(%barrier3A)
    %scan3A = arith.constant 0 : i32
    %scan3A_3 = arith.constant 0 : i32
    %scan3A_4 = arith.constant 79 : i32
    %scan3A_5 = arith.addi %scan3A_3, %scan3A_4 : i32
    %scan3A_6 = arith.constant 1 : i32
    scf.for %scan3A_15 = %scan3A_3 to %scan3A_5 step %scan3A_6  : i32 {
      %rem3A = arith.constant 2 : i32
      %rem3A_16 = arith.remsi %scan3A_15, %rem3A : i32
      %ge3A = arith.constant 2 : i32
      %ge3A_17 = arith.cmpi sge, %scan3A_15, %ge3A : i32
      %convert_element_type3A = arith.extui %ge3A_17 : i1 to i32
      %cond3A = arith.constant 0 : i32
      %cond3A_18 = arith.cmpi ne, %convert_element_type3A, %cond3A : i32
      scf.if %cond3A_18 {
        %dma_wait3A = tpu.memref_slice %arg9[%rem3A_16] : memref<2x!tpu.dma_semaphore, #tpu.memory_space<semaphore_mem>> -> memref<1x!tpu.dma_semaphore, #tpu.memory_space<semaphore_mem>>
        %dma_wait3A_26 = tpu.memref_squeeze %dma_wait3A : memref<1x!tpu.dma_semaphore, #tpu.memory_space<semaphore_mem>> -> memref<!tpu.dma_semaphore, #tpu.memory_space<semaphore_mem>>
        tpu.wait_dma2 semaphore(%dma_wait3A_26 : memref<!tpu.dma_semaphore, #tpu.memory_space<semaphore_mem>>) src(%arg3 : memref<128x16xf32, #tpu.memory_space<hbm>>) dst(%arg7 : memref<128x16xf32, #tpu.memory_space<vmem>>)
      } else {
      }
      %dma_start3A = arith.constant 0 : i32
      %dma_start3A_19 = tpu.memref_slice %arg6[%scan3A_15, %dma_start3A] : memref<79x128xi32, #tpu.memory_space<vmem>> -> memref<1x128xi32, #tpu.memory_space<vmem>>
      %dma_start3A_20 = tpu.memref_squeeze %dma_start3A_19 : memref<1x128xi32, #tpu.memory_space<vmem>> -> memref<128xi32, #tpu.memory_space<vmem>>
      %dma_start3A_21 = arith.constant 0 : i32
      %dma_start3A_22 = arith.constant 0 : i32
      %dma_start3A_23 = tpu.memref_slice %arg8[%dma_start3A_21, %dma_start3A_22] : memref<10240x16xf32, #tpu.memory_space<vmem_shared>> -> memref<10240x16xf32, #tpu.memory_space<vmem_shared>>
      %dma_start3A_24 = tpu.memref_slice %arg9[%rem3A_16] : memref<2x!tpu.dma_semaphore, #tpu.memory_space<semaphore_mem>> -> memref<1x!tpu.dma_semaphore, #tpu.memory_space<semaphore_mem>>
      %dma_start3A_25 = tpu.memref_squeeze %dma_start3A_24 : memref<1x!tpu.dma_semaphore, #tpu.memory_space<semaphore_mem>> -> memref<!tpu.dma_semaphore, #tpu.memory_space<semaphore_mem>>
      tpu.enqueue_indirect_dma source(%arg7 : memref<128x16xf32, #tpu.memory_space<vmem>>) target(%dma_start3A_23 : memref<10240x16xf32, #tpu.memory_space<vmem_shared>>) offsets(%dma_start3A_20 : memref<128xi32, #tpu.memory_space<vmem>>) semaphore(%dma_start3A_25 : memref<!tpu.dma_semaphore, #tpu.memory_space<semaphore_mem>>) {add = true}
    }
    %scan3A_7 = arith.constant 79 : i32
    %scan3A_8 = arith.constant 0 : i32
    %scan3A_9 = arith.constant 0 : i32
    %scan3A_10 = arith.constant 2 : i32
    %scan3A_11 = arith.addi %scan3A_9, %scan3A_10 : i32
    %scan3A_12 = arith.constant 1 : i32
    scf.for %scan3A_15 = %scan3A_9 to %scan3A_11 step %scan3A_12  : i32 {
      %dma_wait3A = tpu.memref_slice %arg9[%scan3A_15] : memref<2x!tpu.dma_semaphore, #tpu.memory_space<semaphore_mem>> -> memref<1x!tpu.dma_semaphore, #tpu.memory_space<semaphore_mem>>
      %dma_wait3A_16 = tpu.memref_squeeze %dma_wait3A : memref<1x!tpu.dma_semaphore, #tpu.memory_space<semaphore_mem>> -> memref<!tpu.dma_semaphore, #tpu.memory_space<semaphore_mem>>
      tpu.wait_dma2 semaphore(%dma_wait3A_16 : memref<!tpu.dma_semaphore, #tpu.memory_space<semaphore_mem>>) src(%arg3 : memref<128x16xf32, #tpu.memory_space<hbm>>) dst(%arg7 : memref<128x16xf32, #tpu.memory_space<vmem>>)
    }
    %scan3A_13 = arith.constant 2 : i32
    %barrier3A_14 = arith.constant 0 : index
    tpu.barrier barrier_id(%barrier3A_14)
    "tpu.region"() ({
      %run_scoped3A = tpu.sem_alloc : memref<!tpu.dma_semaphore, #tpu.memory_space<semaphore_mem>>
      %dma_start3A = arith.constant 0 : i32
      %dma_start3A_15 = tpu.memref_slice %arg5[%arg0, %mul3A_2, %dma_start3A] : memref<2x10240x16xf32, #tpu.memory_space<hbm>> -> memref<1x640x16xf32, #tpu.memory_space<hbm>>
      %dma_start3A_16 = tpu.memref_squeeze %dma_start3A_15 : memref<1x640x16xf32, #tpu.memory_space<hbm>> -> memref<640x16xf32, #tpu.memory_space<hbm>>
      %dma_start3A_17 = arith.constant 0 : i32
      %dma_start3A_18 = tpu.memref_slice %arg8[%mul3A_2, %dma_start3A_17] : memref<10240x16xf32, #tpu.memory_space<vmem_shared>> -> memref<640x16xf32, #tpu.memory_space<vmem_shared>>
      tpu.enqueue_dma source(%dma_start3A_18 : memref<640x16xf32, #tpu.memory_space<vmem_shared>>) target(%dma_start3A_16 : memref<640x16xf32, #tpu.memory_space<hbm>>) target_semaphore(%run_scoped3A : memref<!tpu.dma_semaphore, #tpu.memory_space<semaphore_mem>>)
      %dma_wait3A = arith.constant 0 : i32
      %dma_wait3A_19 = tpu.memref_slice %arg5[%arg0, %mul3A_2, %dma_wait3A] : memref<2x10240x16xf32, #tpu.memory_space<hbm>> -> memref<1x640x16xf32, #tpu.memory_space<hbm>>
      %dma_wait3A_20 = tpu.memref_squeeze %dma_wait3A_19 : memref<1x640x16xf32, #tpu.memory_space<hbm>> -> memref<640x16xf32, #tpu.memory_space<hbm>>
      %dma_wait3A_21 = arith.constant 0 : i32
      %dma_wait3A_22 = tpu.memref_slice %arg8[%mul3A_2, %dma_wait3A_21] : memref<10240x16xf32, #tpu.memory_space<vmem_shared>> -> memref<640x16xf32, #tpu.memory_space<vmem_shared>>
      tpu.wait_dma2 semaphore(%run_scoped3A : memref<!tpu.dma_semaphore, #tpu.memory_space<semaphore_mem>>) src(%dma_wait3A_22 : memref<640x16xf32, #tpu.memory_space<vmem_shared>>) dst(%dma_wait3A_20 : memref<640x16xf32, #tpu.memory_space<hbm>>)
      tpu.yield
    }) : () -> ()
    return
  }
}

#map = affine_map<(d0, d1) -> (0, 0)>
#map1 = affine_map<(d0, d1) -> (0, 0, 0, 0)>
#map2 = affine_map<(d0, d1) -> (0, 0, 0)>
module attributes {stable_mosaic.version = 14 : i64} {
  func.func @agg_kernel(%arg0: i32, %arg1: i32, %arg2: memref<10000x128xf32, #tpu.memory_space<hbm>>, %arg3: memref<32x158x2x64xi32, #tpu.memory_space<hbm>>, %arg4: memref<10240x128xf32, #tpu.memory_space<hbm>>, %arg5: memref<2x10240x128xf32, #tpu.memory_space<hbm>>, %arg6: memref<10240x128xf32, #tpu.memory_space<vmem_shared>>, %arg7: memref<3x!tpu.dma_semaphore, #tpu.memory_space<semaphore_mem>>, %arg8: memref<3x!tpu.dma_semaphore, #tpu.memory_space<semaphore_mem>>, %arg9: memref<!tpu.dma_semaphore, #tpu.memory_space<semaphore_mem>>) attributes {dimension_semantics = [#tpu.dimension_semantics<core_parallel>, #tpu.dimension_semantics<subcore_parallel>], iteration_bounds = array<i64: 2, 16>, scalar_prefetch = 0 : i64, scratch_operands = 4 : i64, tpu.core_type = #tpu.core_type<sc_vector_subcore>, window_params = [{transform_indices = #map}, {transform_indices = #map1}, {transform_indices = #map}, {transform_indices = #map2}]} {
    %mul3A = arith.constant 16 : i32
    %mul3A_0 = arith.muli %arg0, %mul3A : i32
    %add3A = arith.addi %mul3A_0, %arg1 : i32
    %mul3A_1 = arith.constant 640 : i32
    %mul3A_2 = arith.muli %arg1, %mul3A_1 : i32
    "tpu.region"() ({
      %run_scoped3A = memref.alloca() : memref<158x2x64xi32, #tpu.memory_space<vmem>>
      %run_scoped3A_3 = memref.alloca() : memref<3x64x128xf32, #tpu.memory_space<vmem>>
      "tpu.region"() ({
        %run_scoped3A_40 = tpu.sem_alloc : memref<!tpu.dma_semaphore, #tpu.memory_space<semaphore_mem>>
        %dma_start3A = arith.constant 0 : i32
        %dma_start3A_41 = arith.constant 0 : i32
        %dma_start3A_42 = arith.constant 0 : i32
        %dma_start3A_43 = tpu.memref_slice %arg3[%add3A, %dma_start3A, %dma_start3A_41, %dma_start3A_42] : memref<32x158x2x64xi32, #tpu.memory_space<hbm>> -> memref<1x158x2x64xi32, #tpu.memory_space<hbm>>
        %dma_start3A_44 = tpu.memref_squeeze %dma_start3A_43 : memref<1x158x2x64xi32, #tpu.memory_space<hbm>> -> memref<158x2x64xi32, #tpu.memory_space<hbm>>
        %dma_start3A_45 = arith.constant 0 : i32
        %dma_start3A_46 = arith.constant 0 : i32
        %dma_start3A_47 = arith.constant 0 : i32
        %dma_start3A_48 = tpu.memref_slice %arg3[%add3A, %dma_start3A_45, %dma_start3A_46, %dma_start3A_47] : memref<32x158x2x64xi32, #tpu.memory_space<hbm>> -> memref<1x158x2x64xi32, #tpu.memory_space<hbm>>
        %dma_start3A_49 = tpu.memref_squeeze %dma_start3A_48 : memref<1x158x2x64xi32, #tpu.memory_space<hbm>> -> memref<158x2x64xi32, #tpu.memory_space<hbm>>
        tpu.enqueue_dma source(%dma_start3A_49 : memref<158x2x64xi32, #tpu.memory_space<hbm>>) target(%run_scoped3A : memref<158x2x64xi32, #tpu.memory_space<vmem>>) target_semaphore(%run_scoped3A_40 : memref<!tpu.dma_semaphore, #tpu.memory_space<semaphore_mem>>)
        %dma_wait3A = arith.constant 0 : i32
        %dma_wait3A_50 = arith.constant 0 : i32
        %dma_wait3A_51 = arith.constant 0 : i32
        %dma_wait3A_52 = tpu.memref_slice %arg3[%add3A, %dma_wait3A, %dma_wait3A_50, %dma_wait3A_51] : memref<32x158x2x64xi32, #tpu.memory_space<hbm>> -> memref<1x158x2x64xi32, #tpu.memory_space<hbm>>
        %dma_wait3A_53 = tpu.memref_squeeze %dma_wait3A_52 : memref<1x158x2x64xi32, #tpu.memory_space<hbm>> -> memref<158x2x64xi32, #tpu.memory_space<hbm>>
        %dma_wait3A_54 = arith.constant 0 : i32
        %dma_wait3A_55 = arith.constant 0 : i32
        %dma_wait3A_56 = arith.constant 0 : i32
        %dma_wait3A_57 = tpu.memref_slice %arg3[%add3A, %dma_wait3A_54, %dma_wait3A_55, %dma_wait3A_56] : memref<32x158x2x64xi32, #tpu.memory_space<hbm>> -> memref<1x158x2x64xi32, #tpu.memory_space<hbm>>
        %dma_wait3A_58 = tpu.memref_squeeze %dma_wait3A_57 : memref<1x158x2x64xi32, #tpu.memory_space<hbm>> -> memref<158x2x64xi32, #tpu.memory_space<hbm>>
        tpu.wait_dma2 semaphore(%run_scoped3A_40 : memref<!tpu.dma_semaphore, #tpu.memory_space<semaphore_mem>>) src(%dma_wait3A_58 : memref<158x2x64xi32, #tpu.memory_space<hbm>>) dst(%run_scoped3A : memref<158x2x64xi32, #tpu.memory_space<vmem>>)
        tpu.yield
      }) : () -> ()
      %scan3A = arith.constant 0 : i32
      %scan3A_4 = arith.constant 0 : i32
      %scan3A_5 = arith.constant 10 : i32
      %scan3A_6 = arith.addi %scan3A_4, %scan3A_5 : i32
      %scan3A_7 = arith.constant 1 : i32
      scf.for %scan3A_40 = %scan3A_4 to %scan3A_6 step %scan3A_7  : i32 {
        %mul3A_41 = arith.constant 64 : i32
        %mul3A_42 = arith.muli %scan3A_40, %mul3A_41 : i32
        %add3A_43 = arith.addi %mul3A_2, %mul3A_42 : i32
        %dma_start3A = arith.constant 0 : i32
        %dma_start3A_44 = tpu.memref_slice %arg6[%add3A_43, %dma_start3A] : memref<10240x128xf32, #tpu.memory_space<vmem_shared>> -> memref<64x128xf32, #tpu.memory_space<vmem_shared>>
        %dma_start3A_45 = arith.constant 0 : i32
        %dma_start3A_46 = tpu.memref_slice %arg4[%add3A_43, %dma_start3A_45] : memref<10240x128xf32, #tpu.memory_space<hbm>> -> memref<64x128xf32, #tpu.memory_space<hbm>>
        tpu.enqueue_dma source(%dma_start3A_46 : memref<64x128xf32, #tpu.memory_space<hbm>>) target(%dma_start3A_44 : memref<64x128xf32, #tpu.memory_space<vmem_shared>>) target_semaphore(%arg9 : memref<!tpu.dma_semaphore, #tpu.memory_space<semaphore_mem>>)
      }
      %scan3A_8 = arith.constant 10 : i32
      %scan3A_9 = arith.constant 0 : i32
      %scan3A_10 = arith.constant 0 : i32
      %scan3A_11 = arith.constant 10 : i32
      %scan3A_12 = arith.addi %scan3A_10, %scan3A_11 : i32
      %scan3A_13 = arith.constant 1 : i32
      scf.for %scan3A_40 = %scan3A_10 to %scan3A_12 step %scan3A_13  : i32 {
        %dma_wait3A = arith.constant 0 : i32
        %dma_wait3A_41 = tpu.memref_slice %arg6[%mul3A_2, %dma_wait3A] : memref<10240x128xf32, #tpu.memory_space<vmem_shared>> -> memref<64x128xf32, #tpu.memory_space<vmem_shared>>
        %dma_wait3A_42 = arith.constant 0 : i32
        %dma_wait3A_43 = tpu.memref_slice %arg4[%mul3A_2, %dma_wait3A_42] : memref<10240x128xf32, #tpu.memory_space<hbm>> -> memref<64x128xf32, #tpu.memory_space<hbm>>
        tpu.wait_dma2 semaphore(%arg9 : memref<!tpu.dma_semaphore, #tpu.memory_space<semaphore_mem>>) src(%dma_wait3A_43 : memref<64x128xf32, #tpu.memory_space<hbm>>) dst(%dma_wait3A_41 : memref<64x128xf32, #tpu.memory_space<vmem_shared>>)
      }
      %scan3A_14 = arith.constant 10 : i32
      %barrier3A = arith.constant 0 : index
      tpu.barrier barrier_id(%barrier3A)
      %scan3A_15 = arith.constant 0 : i32
      %scan3A_16 = arith.constant 0 : i32
      %scan3A_17 = arith.constant 159 : i32
      %scan3A_18 = arith.addi %scan3A_16, %scan3A_17 : i32
      %scan3A_19 = arith.constant 1 : i32
      scf.for %scan3A_40 = %scan3A_16 to %scan3A_18 step %scan3A_19  : i32 {
        %rem3A = arith.constant 3 : i32
        %rem3A_41 = arith.remsi %scan3A_40, %rem3A : i32
        %ge3A = arith.constant 3 : i32
        %ge3A_42 = arith.cmpi sge, %scan3A_40, %ge3A : i32
        %convert_element_type3A = arith.extui %ge3A_42 : i1 to i32
        %cond3A = arith.constant 0 : i32
        %cond3A_43 = arith.cmpi ne, %convert_element_type3A, %cond3A : i32
        scf.if %cond3A_43 {
          %dma_wait3A = arith.constant 0 : i32
          %dma_wait3A_53 = arith.constant 0 : i32
          %dma_wait3A_54 = tpu.memref_slice %run_scoped3A_3[%rem3A_41, %dma_wait3A, %dma_wait3A_53] : memref<3x64x128xf32, #tpu.memory_space<vmem>> -> memref<1x64x128xf32, #tpu.memory_space<vmem>>
          %dma_wait3A_55 = tpu.memref_squeeze %dma_wait3A_54 : memref<1x64x128xf32, #tpu.memory_space<vmem>> -> memref<64x128xf32, #tpu.memory_space<vmem>>
          %dma_wait3A_56 = arith.constant 0 : i32
          %dma_wait3A_57 = arith.constant 0 : i32
          %dma_wait3A_58 = tpu.memref_slice %arg2[%dma_wait3A_56, %dma_wait3A_57] : memref<10000x128xf32, #tpu.memory_space<hbm>> -> memref<64x128xf32, #tpu.memory_space<hbm>>
          %dma_wait3A_59 = tpu.memref_slice %arg8[%rem3A_41] : memref<3x!tpu.dma_semaphore, #tpu.memory_space<semaphore_mem>> -> memref<1x!tpu.dma_semaphore, #tpu.memory_space<semaphore_mem>>
          %dma_wait3A_60 = tpu.memref_squeeze %dma_wait3A_59 : memref<1x!tpu.dma_semaphore, #tpu.memory_space<semaphore_mem>> -> memref<!tpu.dma_semaphore, #tpu.memory_space<semaphore_mem>>
          %dma_wait3A_61 = arith.constant 0 : i32
          %dma_wait3A_62 = arith.constant 0 : i32
          %dma_wait3A_63 = tpu.memref_slice %run_scoped3A_3[%rem3A_41, %dma_wait3A_61, %dma_wait3A_62] : memref<3x64x128xf32, #tpu.memory_space<vmem>> -> memref<1x64x128xf32, #tpu.memory_space<vmem>>
          %dma_wait3A_64 = tpu.memref_squeeze %dma_wait3A_63 : memref<1x64x128xf32, #tpu.memory_space<vmem>> -> memref<64x128xf32, #tpu.memory_space<vmem>>
          %dma_wait3A_65 = arith.constant 0 : i32
          %dma_wait3A_66 = arith.constant 0 : i32
          %dma_wait3A_67 = tpu.memref_slice %arg2[%dma_wait3A_65, %dma_wait3A_66] : memref<10000x128xf32, #tpu.memory_space<hbm>> -> memref<64x128xf32, #tpu.memory_space<hbm>>
          tpu.wait_dma2 semaphore(%dma_wait3A_60 : memref<!tpu.dma_semaphore, #tpu.memory_space<semaphore_mem>>) src(%dma_wait3A_67 : memref<64x128xf32, #tpu.memory_space<hbm>>) dst(%dma_wait3A_64 : memref<64x128xf32, #tpu.memory_space<vmem>>)
        } else {
        }
        %lt3A = arith.constant 158 : i32
        %lt3A_44 = arith.cmpi slt, %scan3A_40, %lt3A : i32
        %convert_element_type3A_45 = arith.extui %lt3A_44 : i1 to i32
        %cond3A_46 = arith.constant 0 : i32
        %cond3A_47 = arith.cmpi ne, %convert_element_type3A_45, %cond3A_46 : i32
        scf.if %cond3A_47 {
          %dma_start3A = arith.constant 0 : i32
          %dma_start3A_53 = arith.constant 0 : i32
          %dma_start3A_54 = arith.constant 0 : i32
          %dma_start3A_55 = tpu.memref_slice %run_scoped3A_3[%rem3A_41, %dma_start3A_53, %dma_start3A_54] : memref<3x64x128xf32, #tpu.memory_space<vmem>> -> memref<1x64x128xf32, #tpu.memory_space<vmem>>
          %dma_start3A_56 = tpu.memref_squeeze %dma_start3A_55 : memref<1x64x128xf32, #tpu.memory_space<vmem>> -> memref<64x128xf32, #tpu.memory_space<vmem>>
          %dma_start3A_57 = arith.constant 0 : i32
          %dma_start3A_58 = tpu.memref_slice %run_scoped3A[%scan3A_40, %dma_start3A, %dma_start3A_57] : memref<158x2x64xi32, #tpu.memory_space<vmem>> -> memref<1x1x64xi32, #tpu.memory_space<vmem>>
          %dma_start3A_59 = tpu.memref_squeeze %dma_start3A_58 : memref<1x1x64xi32, #tpu.memory_space<vmem>> -> memref<64xi32, #tpu.memory_space<vmem>>
          %dma_start3A_60 = arith.constant 0 : i32
          %dma_start3A_61 = arith.constant 0 : i32
          %dma_start3A_62 = tpu.memref_slice %arg2[%dma_start3A_60, %dma_start3A_61] : memref<10000x128xf32, #tpu.memory_space<hbm>> -> memref<10000x128xf32, #tpu.memory_space<hbm>>
          %dma_start3A_63 = tpu.memref_slice %arg7[%rem3A_41] : memref<3x!tpu.dma_semaphore, #tpu.memory_space<semaphore_mem>> -> memref<1x!tpu.dma_semaphore, #tpu.memory_space<semaphore_mem>>
          %dma_start3A_64 = tpu.memref_squeeze %dma_start3A_63 : memref<1x!tpu.dma_semaphore, #tpu.memory_space<semaphore_mem>> -> memref<!tpu.dma_semaphore, #tpu.memory_space<semaphore_mem>>
          tpu.enqueue_indirect_dma source(%dma_start3A_62 : memref<10000x128xf32, #tpu.memory_space<hbm>>) target(%dma_start3A_56 : memref<64x128xf32, #tpu.memory_space<vmem>>) offsets(%dma_start3A_59 : memref<64xi32, #tpu.memory_space<vmem>>) semaphore(%dma_start3A_64 : memref<!tpu.dma_semaphore, #tpu.memory_space<semaphore_mem>>)
        } else {
        }
        %ge3A_48 = arith.constant 1 : i32
        %ge3A_49 = arith.cmpi sge, %scan3A_40, %ge3A_48 : i32
        %convert_element_type3A_50 = arith.extui %ge3A_49 : i1 to i32
        %cond3A_51 = arith.constant 0 : i32
        %cond3A_52 = arith.cmpi ne, %convert_element_type3A_50, %cond3A_51 : i32
        scf.if %cond3A_52 {
          %sub3A = arith.constant 1 : i32
          %sub3A_53 = arith.subi %scan3A_40, %sub3A : i32
          %rem3A_54 = arith.constant 3 : i32
          %rem3A_55 = arith.remsi %sub3A_53, %rem3A_54 : i32
          %dma_wait3A = arith.constant 0 : i32
          %dma_wait3A_56 = arith.constant 0 : i32
          %dma_wait3A_57 = tpu.memref_slice %run_scoped3A_3[%rem3A_55, %dma_wait3A, %dma_wait3A_56] : memref<3x64x128xf32, #tpu.memory_space<vmem>> -> memref<1x64x128xf32, #tpu.memory_space<vmem>>
          %dma_wait3A_58 = tpu.memref_squeeze %dma_wait3A_57 : memref<1x64x128xf32, #tpu.memory_space<vmem>> -> memref<64x128xf32, #tpu.memory_space<vmem>>
          %dma_wait3A_59 = arith.constant 0 : i32
          %dma_wait3A_60 = arith.constant 0 : i32
          %dma_wait3A_61 = tpu.memref_slice %arg2[%dma_wait3A_59, %dma_wait3A_60] : memref<10000x128xf32, #tpu.memory_space<hbm>> -> memref<64x128xf32, #tpu.memory_space<hbm>>
          %dma_wait3A_62 = tpu.memref_slice %arg7[%rem3A_55] : memref<3x!tpu.dma_semaphore, #tpu.memory_space<semaphore_mem>> -> memref<1x!tpu.dma_semaphore, #tpu.memory_space<semaphore_mem>>
          %dma_wait3A_63 = tpu.memref_squeeze %dma_wait3A_62 : memref<1x!tpu.dma_semaphore, #tpu.memory_space<semaphore_mem>> -> memref<!tpu.dma_semaphore, #tpu.memory_space<semaphore_mem>>
          %dma_wait3A_64 = arith.constant 0 : i32
          %dma_wait3A_65 = arith.constant 0 : i32
          %dma_wait3A_66 = tpu.memref_slice %run_scoped3A_3[%rem3A_55, %dma_wait3A_64, %dma_wait3A_65] : memref<3x64x128xf32, #tpu.memory_space<vmem>> -> memref<1x64x128xf32, #tpu.memory_space<vmem>>
          %dma_wait3A_67 = tpu.memref_squeeze %dma_wait3A_66 : memref<1x64x128xf32, #tpu.memory_space<vmem>> -> memref<64x128xf32, #tpu.memory_space<vmem>>
          %dma_wait3A_68 = arith.constant 0 : i32
          %dma_wait3A_69 = arith.constant 0 : i32
          %dma_wait3A_70 = tpu.memref_slice %arg2[%dma_wait3A_68, %dma_wait3A_69] : memref<10000x128xf32, #tpu.memory_space<hbm>> -> memref<64x128xf32, #tpu.memory_space<hbm>>
          tpu.wait_dma2 semaphore(%dma_wait3A_63 : memref<!tpu.dma_semaphore, #tpu.memory_space<semaphore_mem>>) src(%dma_wait3A_70 : memref<64x128xf32, #tpu.memory_space<hbm>>) dst(%dma_wait3A_67 : memref<64x128xf32, #tpu.memory_space<vmem>>)
          %dma_start3A = arith.constant 1 : i32
          %dma_start3A_71 = arith.constant 0 : i32
          %dma_start3A_72 = arith.constant 0 : i32
          %dma_start3A_73 = tpu.memref_slice %run_scoped3A_3[%rem3A_55, %dma_start3A_71, %dma_start3A_72] : memref<3x64x128xf32, #tpu.memory_space<vmem>> -> memref<1x64x128xf32, #tpu.memory_space<vmem>>
          %dma_start3A_74 = tpu.memref_squeeze %dma_start3A_73 : memref<1x64x128xf32, #tpu.memory_space<vmem>> -> memref<64x128xf32, #tpu.memory_space<vmem>>
          %dma_start3A_75 = arith.constant 0 : i32
          %dma_start3A_76 = tpu.memref_slice %run_scoped3A[%sub3A_53, %dma_start3A, %dma_start3A_75] : memref<158x2x64xi32, #tpu.memory_space<vmem>> -> memref<1x1x64xi32, #tpu.memory_space<vmem>>
          %dma_start3A_77 = tpu.memref_squeeze %dma_start3A_76 : memref<1x1x64xi32, #tpu.memory_space<vmem>> -> memref<64xi32, #tpu.memory_space<vmem>>
          %dma_start3A_78 = arith.constant 0 : i32
          %dma_start3A_79 = arith.constant 0 : i32
          %dma_start3A_80 = tpu.memref_slice %arg6[%dma_start3A_78, %dma_start3A_79] : memref<10240x128xf32, #tpu.memory_space<vmem_shared>> -> memref<10240x128xf32, #tpu.memory_space<vmem_shared>>
          %dma_start3A_81 = tpu.memref_slice %arg8[%rem3A_55] : memref<3x!tpu.dma_semaphore, #tpu.memory_space<semaphore_mem>> -> memref<1x!tpu.dma_semaphore, #tpu.memory_space<semaphore_mem>>
          %dma_start3A_82 = tpu.memref_squeeze %dma_start3A_81 : memref<1x!tpu.dma_semaphore, #tpu.memory_space<semaphore_mem>> -> memref<!tpu.dma_semaphore, #tpu.memory_space<semaphore_mem>>
          tpu.enqueue_indirect_dma source(%dma_start3A_74 : memref<64x128xf32, #tpu.memory_space<vmem>>) target(%dma_start3A_80 : memref<10240x128xf32, #tpu.memory_space<vmem_shared>>) offsets(%dma_start3A_77 : memref<64xi32, #tpu.memory_space<vmem>>) semaphore(%dma_start3A_82 : memref<!tpu.dma_semaphore, #tpu.memory_space<semaphore_mem>>) {add = true}
        } else {
        }
      }
      %scan3A_20 = arith.constant 159 : i32
      %scan3A_21 = arith.constant 0 : i32
      %scan3A_22 = arith.constant 0 : i32
      %scan3A_23 = arith.constant 2 : i32
      %scan3A_24 = arith.addi %scan3A_22, %scan3A_23 : i32
      %scan3A_25 = arith.constant 1 : i32
      scf.for %scan3A_40 = %scan3A_22 to %scan3A_24 step %scan3A_25  : i32 {
        %add3A_41 = arith.constant 156 : i32
        %add3A_42 = arith.addi %add3A_41, %scan3A_40 : i32
        %rem3A = arith.constant 3 : i32
        %rem3A_43 = arith.remsi %add3A_42, %rem3A : i32
        %dma_wait3A = arith.constant 0 : i32
        %dma_wait3A_44 = arith.constant 0 : i32
        %dma_wait3A_45 = tpu.memref_slice %run_scoped3A_3[%rem3A_43, %dma_wait3A, %dma_wait3A_44] : memref<3x64x128xf32, #tpu.memory_space<vmem>> -> memref<1x64x128xf32, #tpu.memory_space<vmem>>
        %dma_wait3A_46 = tpu.memref_squeeze %dma_wait3A_45 : memref<1x64x128xf32, #tpu.memory_space<vmem>> -> memref<64x128xf32, #tpu.memory_space<vmem>>
        %dma_wait3A_47 = arith.constant 0 : i32
        %dma_wait3A_48 = arith.constant 0 : i32
        %dma_wait3A_49 = tpu.memref_slice %arg2[%dma_wait3A_47, %dma_wait3A_48] : memref<10000x128xf32, #tpu.memory_space<hbm>> -> memref<64x128xf32, #tpu.memory_space<hbm>>
        %dma_wait3A_50 = tpu.memref_slice %arg8[%rem3A_43] : memref<3x!tpu.dma_semaphore, #tpu.memory_space<semaphore_mem>> -> memref<1x!tpu.dma_semaphore, #tpu.memory_space<semaphore_mem>>
        %dma_wait3A_51 = tpu.memref_squeeze %dma_wait3A_50 : memref<1x!tpu.dma_semaphore, #tpu.memory_space<semaphore_mem>> -> memref<!tpu.dma_semaphore, #tpu.memory_space<semaphore_mem>>
        %dma_wait3A_52 = arith.constant 0 : i32
        %dma_wait3A_53 = arith.constant 0 : i32
        %dma_wait3A_54 = tpu.memref_slice %run_scoped3A_3[%rem3A_43, %dma_wait3A_52, %dma_wait3A_53] : memref<3x64x128xf32, #tpu.memory_space<vmem>> -> memref<1x64x128xf32, #tpu.memory_space<vmem>>
        %dma_wait3A_55 = tpu.memref_squeeze %dma_wait3A_54 : memref<1x64x128xf32, #tpu.memory_space<vmem>> -> memref<64x128xf32, #tpu.memory_space<vmem>>
        %dma_wait3A_56 = arith.constant 0 : i32
        %dma_wait3A_57 = arith.constant 0 : i32
        %dma_wait3A_58 = tpu.memref_slice %arg2[%dma_wait3A_56, %dma_wait3A_57] : memref<10000x128xf32, #tpu.memory_space<hbm>> -> memref<64x128xf32, #tpu.memory_space<hbm>>
        tpu.wait_dma2 semaphore(%dma_wait3A_51 : memref<!tpu.dma_semaphore, #tpu.memory_space<semaphore_mem>>) src(%dma_wait3A_58 : memref<64x128xf32, #tpu.memory_space<hbm>>) dst(%dma_wait3A_55 : memref<64x128xf32, #tpu.memory_space<vmem>>)
      }
      %scan3A_26 = arith.constant 2 : i32
      %barrier3A_27 = arith.constant 0 : index
      tpu.barrier barrier_id(%barrier3A_27)
      %scan3A_28 = arith.constant 0 : i32
      %scan3A_29 = arith.constant 0 : i32
      %scan3A_30 = arith.constant 10 : i32
      %scan3A_31 = arith.addi %scan3A_29, %scan3A_30 : i32
      %scan3A_32 = arith.constant 1 : i32
      scf.for %scan3A_40 = %scan3A_29 to %scan3A_31 step %scan3A_32  : i32 {
        %mul3A_41 = arith.constant 64 : i32
        %mul3A_42 = arith.muli %scan3A_40, %mul3A_41 : i32
        %add3A_43 = arith.addi %mul3A_2, %mul3A_42 : i32
        %dma_start3A = arith.constant 0 : i32
        %dma_start3A_44 = tpu.memref_slice %arg5[%arg0, %add3A_43, %dma_start3A] : memref<2x10240x128xf32, #tpu.memory_space<hbm>> -> memref<1x64x128xf32, #tpu.memory_space<hbm>>
        %dma_start3A_45 = tpu.memref_squeeze %dma_start3A_44 : memref<1x64x128xf32, #tpu.memory_space<hbm>> -> memref<64x128xf32, #tpu.memory_space<hbm>>
        %dma_start3A_46 = arith.constant 0 : i32
        %dma_start3A_47 = tpu.memref_slice %arg6[%add3A_43, %dma_start3A_46] : memref<10240x128xf32, #tpu.memory_space<vmem_shared>> -> memref<64x128xf32, #tpu.memory_space<vmem_shared>>
        tpu.enqueue_dma source(%dma_start3A_47 : memref<64x128xf32, #tpu.memory_space<vmem_shared>>) target(%dma_start3A_45 : memref<64x128xf32, #tpu.memory_space<hbm>>) target_semaphore(%arg9 : memref<!tpu.dma_semaphore, #tpu.memory_space<semaphore_mem>>)
      }
      %scan3A_33 = arith.constant 10 : i32
      %scan3A_34 = arith.constant 0 : i32
      %scan3A_35 = arith.constant 0 : i32
      %scan3A_36 = arith.constant 10 : i32
      %scan3A_37 = arith.addi %scan3A_35, %scan3A_36 : i32
      %scan3A_38 = arith.constant 1 : i32
      scf.for %scan3A_40 = %scan3A_35 to %scan3A_37 step %scan3A_38  : i32 {
        %dma_wait3A = arith.constant 0 : i32
        %dma_wait3A_41 = tpu.memref_slice %arg5[%arg0, %mul3A_2, %dma_wait3A] : memref<2x10240x128xf32, #tpu.memory_space<hbm>> -> memref<1x64x128xf32, #tpu.memory_space<hbm>>
        %dma_wait3A_42 = tpu.memref_squeeze %dma_wait3A_41 : memref<1x64x128xf32, #tpu.memory_space<hbm>> -> memref<64x128xf32, #tpu.memory_space<hbm>>
        %dma_wait3A_43 = arith.constant 0 : i32
        %dma_wait3A_44 = tpu.memref_slice %arg6[%mul3A_2, %dma_wait3A_43] : memref<10240x128xf32, #tpu.memory_space<vmem_shared>> -> memref<64x128xf32, #tpu.memory_space<vmem_shared>>
        tpu.wait_dma2 semaphore(%arg9 : memref<!tpu.dma_semaphore, #tpu.memory_space<semaphore_mem>>) src(%dma_wait3A_44 : memref<64x128xf32, #tpu.memory_space<vmem_shared>>) dst(%dma_wait3A_42 : memref<64x128xf32, #tpu.memory_space<hbm>>)
      }
      %scan3A_39 = arith.constant 10 : i32
      tpu.yield
    }) : () -> ()
    return
  }
}

module attributes {stable_mosaic.version = 14 : i64} {
  func.func @_t1_body(%arg0: i32, %arg1: memref<1x1000x16xf32, #tpu.memory_space<vmem>>, %arg2: memref<1x1000x16xf32, #tpu.memory_space<vmem>>, %arg3: memref<1000x128xf32, #tpu.memory_space<vmem>>, %arg4: memref<128x128xf32, #tpu.memory_space<vmem>>, %arg5: memref<1000x128xf32, #tpu.memory_space<vmem>>, %arg6: memref<1000x1xf32, #tpu.memory_space<vmem>>) attributes {dimension_semantics = [#tpu.dimension_semantics<arbitrary>], iteration_bounds = array<i64: 10>, scalar_prefetch = 0 : i64, scratch_operands = 0 : i64, tpu.core_type = #tpu.core_type<tc>, window_params = [{transform_indices = @transform_0, window_bounds = array<i64: 1, 1000, 16>}, {transform_indices = @transform_1, window_bounds = array<i64: 1, 1000, 16>}, {transform_indices = @transform_2, window_bounds = array<i64: 1000, 128>}, {pipeline_mode = #tpu.pipeline_mode<synchronous>, transform_indices = @transform_3, window_bounds = array<i64: 128, 128>}, {transform_indices = @transform_4, window_bounds = array<i64: 1000, 128>}, {transform_indices = @transform_5, window_bounds = array<i64: 1000, 1>}]} {
    %get3A = arith.constant 0 : index
    %get3A_0 = arith.constant 0 : index
    %get3A_1 = arith.constant 0 : index
    %get3A_2 = vector.load %arg1[%get3A, %get3A_0, %get3A_1] : memref<1x1000x16xf32, #tpu.memory_space<vmem>>, vector<1x1000x16xf32>
    %get3A_3 = vector.shape_cast %get3A_2 : vector<1x1000x16xf32> to vector<1000x16xf32>
    %slice3A = vector.extract_strided_slice %get3A_3 {offsets = [0, 0], sizes = [1000, 1], strides = [1, 1]} : vector<1000x16xf32> to vector<1000x1xf32>
    %add3A = arith.constant 1.000000e+00 : f32
    %add3A_4 = vector.broadcast %add3A : f32 to vector<1000x1xf32>
    %add3A_5 = arith.addf %add3A_4, %slice3A : vector<1000x1xf32>
    %get3A_6 = arith.constant 0 : index
    %get3A_7 = arith.constant 0 : index
    %get3A_8 = arith.constant 0 : index
    %get3A_9 = vector.load %arg2[%get3A_6, %get3A_7, %get3A_8] : memref<1x1000x16xf32, #tpu.memory_space<vmem>>, vector<1x1000x16xf32>
    %get3A_10 = vector.shape_cast %get3A_9 : vector<1x1000x16xf32> to vector<1000x16xf32>
    %slice3A_11 = vector.extract_strided_slice %get3A_10 {offsets = [0, 0], sizes = [1000, 1], strides = [1, 1]} : vector<1000x16xf32> to vector<1000x1xf32>
    %add3A_12 = arith.addf %add3A_5, %slice3A_11 : vector<1000x1xf32>
    %rsqrt3A = math.rsqrt %add3A_12 : vector<1000x1xf32>
    %get3A_13 = arith.constant 0 : index
    %get3A_14 = arith.constant 0 : index
    %get3A_15 = vector.load %arg3[%get3A_13, %get3A_14] : memref<1000x128xf32, #tpu.memory_space<vmem>>, vector<1000x128xf32>
    %get3A_16 = arith.constant 0 : index
    %get3A_17 = arith.constant 0 : index
    %get3A_18 = vector.load %arg4[%get3A_16, %get3A_17] : memref<128x128xf32, #tpu.memory_space<vmem>>, vector<128x128xf32>
    %dot_general3A = arith.constant dense<0.000000e+00> : vector<1000x128xf32>
    %dot_general3A_19 = tpu.matmul %get3A_15, %get3A_18, %dot_general3A {dimension_numbers = #tpu.dot_dimension_numbers<[1], [0], [0], [1], [0, 0, 1, 1], [], []>, transpose_lhs_hint = false} : vector<1000x128xf32>, vector<128x128xf32>, vector<1000x128xf32> -> vector<1000x128xf32>
    %mul3A = vector.broadcast %rsqrt3A : vector<1000x1xf32> to vector<1000x128xf32>
    %mul3A_20 = arith.mulf %dot_general3A_19, %mul3A : vector<1000x128xf32>
    %swap3A = arith.constant 0 : index
    %swap3A_21 = arith.constant 0 : index
    %swap3A_22 = vector.load %arg5[%swap3A, %swap3A_21] : memref<1000x128xf32, #tpu.memory_space<vmem>>, vector<1000x128xf32>
    tpu.vector_store %arg5[%swap3A, %swap3A_21], %mul3A_20 {strides = array<i32>} : memref<1000x128xf32, #tpu.memory_space<vmem>>, vector<1000x128xf32>,
    %swap3A_23 = arith.constant 0 : index
    %swap3A_24 = arith.constant 0 : index
    %swap3A_25 = vector.load %arg6[%swap3A_23, %swap3A_24] : memref<1000x1xf32, #tpu.memory_space<vmem>>, vector<1000x1xf32>
    tpu.vector_store %arg6[%swap3A_23, %swap3A_24], %rsqrt3A {strides = array<i32>} : memref<1000x1xf32, #tpu.memory_space<vmem>>, vector<1000x1xf32>,
    return
  }
  func.func @transform_0(%arg0: i32) -> (i32, i32, i32) {
    %c0_i32 = arith.constant 0 : i32
    %c0_i32_0 = arith.constant 0 : i32
    %c0_i32_1 = arith.constant 0 : i32
    return %c0_i32, %arg0, %c0_i32_0 : i32, i32, i32
  }
  func.func @transform_1(%arg0: i32) -> (i32, i32, i32) {
    %c1_i32 = arith.constant 1 : i32
    %c0_i32 = arith.constant 0 : i32
    %c0_i32_0 = arith.constant 0 : i32
    return %c1_i32, %arg0, %c0_i32 : i32, i32, i32
  }
  func.func @transform_2(%arg0: i32) -> (i32, i32) {
    %c0_i32 = arith.constant 0 : i32
    %c0_i32_0 = arith.constant 0 : i32
    return %arg0, %c0_i32 : i32, i32
  }
  func.func @transform_3(%arg0: i32) -> (i32, i32) {
    %c0_i32 = arith.constant 0 : i32
    %c0_i32_0 = arith.constant 0 : i32
    %c0_i32_1 = arith.constant 0 : i32
    return %c0_i32, %c0_i32_0 : i32, i32
  }
  func.func @transform_4(%arg0: i32) -> (i32, i32) {
    %c0_i32 = arith.constant 0 : i32
    %c0_i32_0 = arith.constant 0 : i32
    return %arg0, %c0_i32 : i32, i32
  }
  func.func @transform_5(%arg0: i32) -> (i32, i32) {
    %c0_i32 = arith.constant 0 : i32
    %c0_i32_0 = arith.constant 0 : i32
    return %arg0, %c0_i32 : i32, i32
  }
}

module attributes {stable_mosaic.version = 14 : i64} {
  func.func @_t2_body(%arg0: i32, %arg1: memref<1x1000x128xf32, #tpu.memory_space<vmem>>, %arg2: memref<1x1000x128xf32, #tpu.memory_space<vmem>>, %arg3: memref<1000x128xf32, #tpu.memory_space<vmem>>, %arg4: memref<1000x1xf32, #tpu.memory_space<vmem>>, %arg5: memref<1x128xf32, #tpu.memory_space<vmem>>, %arg6: memref<128x128xf32, #tpu.memory_space<vmem>>, %arg7: memref<1000x128xf32, #tpu.memory_space<vmem>>) attributes {dimension_semantics = [#tpu.dimension_semantics<arbitrary>], iteration_bounds = array<i64: 10>, scalar_prefetch = 0 : i64, scratch_operands = 0 : i64, tpu.core_type = #tpu.core_type<tc>, window_params = [{transform_indices = @transform_0, window_bounds = array<i64: 1, 1000, 128>}, {transform_indices = @transform_1, window_bounds = array<i64: 1, 1000, 128>}, {transform_indices = @transform_2, window_bounds = array<i64: 1000, 128>}, {transform_indices = @transform_3, window_bounds = array<i64: 1000, 1>}, {pipeline_mode = #tpu.pipeline_mode<synchronous>, transform_indices = @transform_4, window_bounds = array<i64: 1, 128>}, {pipeline_mode = #tpu.pipeline_mode<synchronous>, transform_indices = @transform_5, window_bounds = array<i64: 128, 128>}, {transform_indices = @transform_6, window_bounds = array<i64: 1000, 128>}]} {
    %get3A = arith.constant 0 : index
    %get3A_0 = arith.constant 0 : index
    %get3A_1 = vector.load %arg4[%get3A, %get3A_0] : memref<1000x1xf32, #tpu.memory_space<vmem>>, vector<1000x1xf32>
    %get3A_2 = arith.constant 0 : index
    %get3A_3 = arith.constant 0 : index
    %get3A_4 = arith.constant 0 : index
    %get3A_5 = vector.load %arg1[%get3A_2, %get3A_3, %get3A_4] : memref<1x1000x128xf32, #tpu.memory_space<vmem>>, vector<1x1000x128xf32>
    %get3A_6 = vector.shape_cast %get3A_5 : vector<1x1000x128xf32> to vector<1000x128xf32>
    %get3A_7 = arith.constant 0 : index
    %get3A_8 = arith.constant 0 : index
    %get3A_9 = arith.constant 0 : index
    %get3A_10 = vector.load %arg2[%get3A_7, %get3A_8, %get3A_9] : memref<1x1000x128xf32, #tpu.memory_space<vmem>>, vector<1x1000x128xf32>
    %get3A_11 = vector.shape_cast %get3A_10 : vector<1x1000x128xf32> to vector<1000x128xf32>
    %add3A = arith.addf %get3A_6, %get3A_11 : vector<1000x128xf32>
    %get3A_12 = arith.constant 0 : index
    %get3A_13 = arith.constant 0 : index
    %get3A_14 = vector.load %arg3[%get3A_12, %get3A_13] : memref<1000x128xf32, #tpu.memory_space<vmem>>, vector<1000x128xf32>
    %add3A_15 = arith.addf %add3A, %get3A_14 : vector<1000x128xf32>
    %mul3A = vector.broadcast %get3A_1 : vector<1000x1xf32> to vector<1000x128xf32>
    %mul3A_16 = arith.mulf %mul3A, %add3A_15 : vector<1000x128xf32>
    %get3A_17 = arith.constant 0 : index
    %get3A_18 = arith.constant 0 : index
    %get3A_19 = vector.load %arg5[%get3A_17, %get3A_18] : memref<1x128xf32, #tpu.memory_space<vmem>>, vector<1x128xf32>
    %add3A_20 = vector.broadcast %get3A_19 : vector<1x128xf32> to vector<1000x128xf32>
    %add3A_21 = arith.addf %mul3A_16, %add3A_20 : vector<1000x128xf32>
    %max3A = arith.constant 0.000000e+00 : f32
    %max3A_22 = vector.broadcast %max3A : f32 to vector<1000x128xf32>
    %max3A_23 = arith.maximumf %add3A_21, %max3A_22 : vector<1000x128xf32>
    %get3A_24 = arith.constant 0 : index
    %get3A_25 = arith.constant 0 : index
    %get3A_26 = vector.load %arg6[%get3A_24, %get3A_25] : memref<128x128xf32, #tpu.memory_space<vmem>>, vector<128x128xf32>
    %dot_general3A = arith.constant dense<0.000000e+00> : vector<1000x128xf32>
    %dot_general3A_27 = tpu.matmul %max3A_23, %get3A_26, %dot_general3A {dimension_numbers = #tpu.dot_dimension_numbers<[1], [0], [0], [1], [0, 0, 1, 1], [], []>, transpose_lhs_hint = false} : vector<1000x128xf32>, vector<128x128xf32>, vector<1000x128xf32> -> vector<1000x128xf32>
    %get3A_28 = arith.constant 0 : index
    %get3A_29 = arith.constant 0 : index
    %get3A_30 = vector.load %arg4[%get3A_28, %get3A_29] : memref<1000x1xf32, #tpu.memory_space<vmem>>, vector<1000x1xf32>
    %mul3A_31 = vector.broadcast %get3A_30 : vector<1000x1xf32> to vector<1000x128xf32>
    %mul3A_32 = arith.mulf %dot_general3A_27, %mul3A_31 : vector<1000x128xf32>
    %swap3A = arith.constant 0 : index
    %swap3A_33 = arith.constant 0 : index
    %swap3A_34 = vector.load %arg7[%swap3A, %swap3A_33] : memref<1000x128xf32, #tpu.memory_space<vmem>>, vector<1000x128xf32>
    tpu.vector_store %arg7[%swap3A, %swap3A_33], %mul3A_32 {strides = array<i32>} : memref<1000x128xf32, #tpu.memory_space<vmem>>, vector<1000x128xf32>,
    return
  }
  func.func @transform_0(%arg0: i32) -> (i32, i32, i32) {
    %c0_i32 = arith.constant 0 : i32
    %c0_i32_0 = arith.constant 0 : i32
    %c0_i32_1 = arith.constant 0 : i32
    return %c0_i32, %arg0, %c0_i32_0 : i32, i32, i32
  }
  func.func @transform_1(%arg0: i32) -> (i32, i32, i32) {
    %c1_i32 = arith.constant 1 : i32
    %c0_i32 = arith.constant 0 : i32
    %c0_i32_0 = arith.constant 0 : i32
    return %c1_i32, %arg0, %c0_i32 : i32, i32, i32
  }
  func.func @transform_2(%arg0: i32) -> (i32, i32) {
    %c0_i32 = arith.constant 0 : i32
    %c0_i32_0 = arith.constant 0 : i32
    return %arg0, %c0_i32 : i32, i32
  }
  func.func @transform_3(%arg0: i32) -> (i32, i32) {
    %c0_i32 = arith.constant 0 : i32
    %c0_i32_0 = arith.constant 0 : i32
    return %arg0, %c0_i32 : i32, i32
  }
  func.func @transform_4(%arg0: i32) -> (i32, i32) {
    %c0_i32 = arith.constant 0 : i32
    %c0_i32_0 = arith.constant 0 : i32
    %c0_i32_1 = arith.constant 0 : i32
    return %c0_i32, %c0_i32_0 : i32, i32
  }
  func.func @transform_5(%arg0: i32) -> (i32, i32) {
    %c0_i32 = arith.constant 0 : i32
    %c0_i32_0 = arith.constant 0 : i32
    %c0_i32_1 = arith.constant 0 : i32
    return %c0_i32, %c0_i32_0 : i32, i32
  }
  func.func @transform_6(%arg0: i32) -> (i32, i32) {
    %c0_i32 = arith.constant 0 : i32
    %c0_i32_0 = arith.constant 0 : i32
    return %arg0, %c0_i32 : i32, i32
  }
}

module attributes {stable_mosaic.version = 14 : i64} {
  func.func @_t3_body(%arg0: i32, %arg1: memref<1x1000x128xf32, #tpu.memory_space<vmem>>, %arg2: memref<1x1000x128xf32, #tpu.memory_space<vmem>>, %arg3: memref<1000x128xf32, #tpu.memory_space<vmem>>, %arg4: memref<1000x1xf32, #tpu.memory_space<vmem>>, %arg5: memref<1x128xf32, #tpu.memory_space<vmem>>, %arg6: memref<128x128xf32, #tpu.memory_space<vmem>>, %arg7: memref<1x128xf32, #tpu.memory_space<vmem>>, %arg8: memref<1x128xf32, #tpu.memory_space<vmem>>, %arg9: memref<1x128xf32, #tpu.memory_space<vmem>>) attributes {dimension_semantics = [#tpu.dimension_semantics<arbitrary>], iteration_bounds = array<i64: 10>, scalar_prefetch = 0 : i64, scratch_operands = 1 : i64, tpu.core_type = #tpu.core_type<tc>, window_params = [{transform_indices = @transform_0, window_bounds = array<i64: 1, 1000, 128>}, {transform_indices = @transform_1, window_bounds = array<i64: 1, 1000, 128>}, {transform_indices = @transform_2, window_bounds = array<i64: 1000, 128>}, {transform_indices = @transform_3, window_bounds = array<i64: 1000, 1>}, {pipeline_mode = #tpu.pipeline_mode<synchronous>, transform_indices = @transform_4, window_bounds = array<i64: 1, 128>}, {pipeline_mode = #tpu.pipeline_mode<synchronous>, transform_indices = @transform_5, window_bounds = array<i64: 128, 128>}, {pipeline_mode = #tpu.pipeline_mode<synchronous>, transform_indices = @transform_6, window_bounds = array<i64: 1, 128>}, {pipeline_mode = #tpu.pipeline_mode<synchronous>, transform_indices = @transform_7, window_bounds = array<i64: 1, 128>}]} {
    %eq3A = arith.constant 0 : i32
    %eq3A_0 = arith.cmpi eq, %arg0, %eq3A : i32
    %convert_element_type3A = arith.extui %eq3A_0 : i1 to i32
    %cond3A = arith.constant 0 : i32
    %cond3A_1 = arith.cmpi ne, %convert_element_type3A, %cond3A : i32
    scf.if %cond3A_1 {
      %broadcast_in_dim3A_38 = arith.constant 0.000000e+00 : f32
      %broadcast_in_dim3A_39 = vector.broadcast %broadcast_in_dim3A_38 : f32 to vector<1x128xf32>
      %swap3A_40 = arith.constant 0 : index
      %swap3A_41 = arith.constant 0 : index
      %swap3A_42 = vector.load %arg9[%swap3A_40, %swap3A_41] : memref<1x128xf32, #tpu.memory_space<vmem>>, vector<1x128xf32>
      tpu.vector_store %arg9[%swap3A_40, %swap3A_41], %broadcast_in_dim3A_39 {strides = array<i32>} : memref<1x128xf32, #tpu.memory_space<vmem>>, vector<1x128xf32>,
    } else {
    }
    %get3A = arith.constant 0 : index
    %get3A_2 = arith.constant 0 : index
    %get3A_3 = vector.load %arg4[%get3A, %get3A_2] : memref<1000x1xf32, #tpu.memory_space<vmem>>, vector<1000x1xf32>
    %get3A_4 = arith.constant 0 : index
    %get3A_5 = arith.constant 0 : index
    %get3A_6 = arith.constant 0 : index
    %get3A_7 = vector.load %arg1[%get3A_4, %get3A_5, %get3A_6] : memref<1x1000x128xf32, #tpu.memory_space<vmem>>, vector<1x1000x128xf32>
    %get3A_8 = vector.shape_cast %get3A_7 : vector<1x1000x128xf32> to vector<1000x128xf32>
    %get3A_9 = arith.constant 0 : index
    %get3A_10 = arith.constant 0 : index
    %get3A_11 = arith.constant 0 : index
    %get3A_12 = vector.load %arg2[%get3A_9, %get3A_10, %get3A_11] : memref<1x1000x128xf32, #tpu.memory_space<vmem>>, vector<1x1000x128xf32>
    %get3A_13 = vector.shape_cast %get3A_12 : vector<1x1000x128xf32> to vector<1000x128xf32>
    %add3A = arith.addf %get3A_8, %get3A_13 : vector<1000x128xf32>
    %get3A_14 = arith.constant 0 : index
    %get3A_15 = arith.constant 0 : index
    %get3A_16 = vector.load %arg3[%get3A_14, %get3A_15] : memref<1000x128xf32, #tpu.memory_space<vmem>>, vector<1000x128xf32>
    %add3A_17 = arith.addf %add3A, %get3A_16 : vector<1000x128xf32>
    %mul3A = vector.broadcast %get3A_3 : vector<1000x1xf32> to vector<1000x128xf32>
    %mul3A_18 = arith.mulf %mul3A, %add3A_17 : vector<1000x128xf32>
    %get3A_19 = arith.constant 0 : index
    %get3A_20 = arith.constant 0 : index
    %get3A_21 = vector.load %arg5[%get3A_19, %get3A_20] : memref<1x128xf32, #tpu.memory_space<vmem>>, vector<1x128xf32>
    %add3A_22 = vector.broadcast %get3A_21 : vector<1x128xf32> to vector<1000x128xf32>
    %add3A_23 = arith.addf %mul3A_18, %add3A_22 : vector<1000x128xf32>
    %max3A = arith.constant 0.000000e+00 : f32
    %max3A_24 = vector.broadcast %max3A : f32 to vector<1000x128xf32>
    %max3A_25 = arith.maximumf %add3A_23, %max3A_24 : vector<1000x128xf32>
    %get3A_26 = arith.constant 0 : index
    %get3A_27 = arith.constant 0 : index
    %get3A_28 = vector.load %arg9[%get3A_26, %get3A_27] : memref<1x128xf32, #tpu.memory_space<vmem>>, vector<1x128xf32>
    %reduce_sum3A = arith.constant dense<0.000000e+00> : vector<128xf32>
    %reduce_sum3A_29 = vector.multi_reduction <add>, %max3A_25, %reduce_sum3A [0] : vector<1000x128xf32> to vector<128xf32>
    %broadcast_in_dim3A = vector.shape_cast %reduce_sum3A_29 : vector<128xf32> to vector<1x128xf32>
    %add3A_30 = arith.addf %get3A_28, %broadcast_in_dim3A : vector<1x128xf32>
    %swap3A = arith.constant 0 : index
    %swap3A_31 = arith.constant 0 : index
    %swap3A_32 = vector.load %arg9[%swap3A, %swap3A_31] : memref<1x128xf32, #tpu.memory_space<vmem>>, vector<1x128xf32>
    tpu.vector_store %arg9[%swap3A, %swap3A_31], %add3A_30 {strides = array<i32>} : memref<1x128xf32, #tpu.memory_space<vmem>>, vector<1x128xf32>,
    %eq3A_33 = arith.constant 9 : i32
    %eq3A_34 = arith.cmpi eq, %arg0, %eq3A_33 : i32
    %convert_element_type3A_35 = arith.extui %eq3A_34 : i1 to i32
    %cond3A_36 = arith.constant 0 : i32
    %cond3A_37 = arith.cmpi ne, %convert_element_type3A_35, %cond3A_36 : i32
    scf.if %cond3A_37 {
      %get3A_38 = arith.constant 0 : index
      %get3A_39 = arith.constant 0 : index
      %get3A_40 = vector.load %arg9[%get3A_38, %get3A_39] : memref<1x128xf32, #tpu.memory_space<vmem>>, vector<1x128xf32>
      %mul3A_41 = arith.constant 9.99999974E-5 : f32
      %mul3A_42 = vector.broadcast %mul3A_41 : f32 to vector<1x128xf32>
      %mul3A_43 = arith.mulf %get3A_40, %mul3A_42 : vector<1x128xf32>
      %get3A_44 = arith.constant 0 : index
      %get3A_45 = arith.constant 0 : index
      %get3A_46 = vector.load %arg6[%get3A_44, %get3A_45] : memref<128x128xf32, #tpu.memory_space<vmem>>, vector<128x128xf32>
      %dot_general3A = arith.constant dense<0.000000e+00> : vector<1x128xf32>
      %dot_general3A_47 = tpu.matmul %mul3A_43, %get3A_46, %dot_general3A {dimension_numbers = #tpu.dot_dimension_numbers<[1], [0], [0], [1], [0, 0, 1, 1], [], []>, transpose_lhs_hint = false} : vector<1x128xf32>, vector<128x128xf32>, vector<1x128xf32> -> vector<1x128xf32>
      %get3A_48 = arith.constant 0 : index
      %get3A_49 = arith.constant 0 : index
      %get3A_50 = vector.load %arg7[%get3A_48, %get3A_49] : memref<1x128xf32, #tpu.memory_space<vmem>>, vector<1x128xf32>
      %add3A_51 = arith.addf %dot_general3A_47, %get3A_50 : vector<1x128xf32>
      %reduce_max3A = arith.constant dense<0xFF800000> : vector<1xf32>
      %reduce_max3A_52 = vector.multi_reduction <maximumf>, %add3A_51, %reduce_max3A [1] : vector<1x128xf32> to vector<1xf32>
      %broadcast_in_dim3A_53 = vector.shape_cast %reduce_max3A_52 : vector<1xf32> to vector<1x1xf32>
      %sub3A = vector.broadcast %broadcast_in_dim3A_53 : vector<1x1xf32> to vector<1x128xf32>
      %sub3A_54 = arith.subf %add3A_51, %sub3A : vector<1x128xf32>
      %exp3A = math.exp %sub3A_54 : vector<1x128xf32>
      %reduce_sum3A_55 = arith.constant dense<0.000000e+00> : vector<1xf32>
      %reduce_sum3A_56 = vector.multi_reduction <add>, %exp3A, %reduce_sum3A_55 [1] : vector<1x128xf32> to vector<1xf32>
      %broadcast_in_dim3A_57 = vector.shape_cast %reduce_sum3A_56 : vector<1xf32> to vector<1x1xf32>
      %log3A = math.log %broadcast_in_dim3A_57 : vector<1x1xf32>
      %sub3A_58 = vector.broadcast %log3A : vector<1x1xf32> to vector<1x128xf32>
      %sub3A_59 = arith.subf %sub3A_54, %sub3A_58 : vector<1x128xf32>
      %swap3A_60 = arith.constant 0 : index
      %swap3A_61 = arith.constant 0 : index
      %swap3A_62 = vector.load %arg8[%swap3A_60, %swap3A_61] : memref<1x128xf32, #tpu.memory_space<vmem>>, vector<1x128xf32>
      tpu.vector_store %arg8[%swap3A_60, %swap3A_61], %sub3A_59 {strides = array<i32>} : memref<1x128xf32, #tpu.memory_space<vmem>>, vector<1x128xf32>,
    } else {
    }
    return
  }
  func.func @transform_0(%arg0: i32) -> (i32, i32, i32) {
    %c0_i32 = arith.constant 0 : i32
    %c0_i32_0 = arith.constant 0 : i32
    %c0_i32_1 = arith.constant 0 : i32
    return %c0_i32, %arg0, %c0_i32_0 : i32, i32, i32
  }
  func.func @transform_1(%arg0: i32) -> (i32, i32, i32) {
    %c1_i32 = arith.constant 1 : i32
    %c0_i32 = arith.constant 0 : i32
    %c0_i32_0 = arith.constant 0 : i32
    return %c1_i32, %arg0, %c0_i32 : i32, i32, i32
  }
  func.func @transform_2(%arg0: i32) -> (i32, i32) {
    %c0_i32 = arith.constant 0 : i32
    %c0_i32_0 = arith.constant 0 : i32
    return %arg0, %c0_i32 : i32, i32
  }
  func.func @transform_3(%arg0: i32) -> (i32, i32) {
    %c0_i32 = arith.constant 0 : i32
    %c0_i32_0 = arith.constant 0 : i32
    return %arg0, %c0_i32 : i32, i32
  }
  func.func @transform_4(%arg0: i32) -> (i32, i32) {
    %c0_i32 = arith.constant 0 : i32
    %c0_i32_0 = arith.constant 0 : i32
    %c0_i32_1 = arith.constant 0 : i32
    return %c0_i32, %c0_i32_0 : i32, i32
  }
  func.func @transform_5(%arg0: i32) -> (i32, i32) {
    %c0_i32 = arith.constant 0 : i32
    %c0_i32_0 = arith.constant 0 : i32
    %c0_i32_1 = arith.constant 0 : i32
    return %c0_i32, %c0_i32_0 : i32, i32
  }
  func.func @transform_6(%arg0: i32) -> (i32, i32) {
    %c0_i32 = arith.constant 0 : i32
    %c0_i32_0 = arith.constant 0 : i32
    %c0_i32_1 = arith.constant 0 : i32
    return %c0_i32, %c0_i32_0 : i32, i32
  }
  func.func @transform_7(%arg0: i32) -> (i32, i32) {
    %c0_i32 = arith.constant 0 : i32
    %c0_i32_0 = arith.constant 0 : i32
    %c0_i32_1 = arith.constant 0 : i32
    return %c0_i32, %c0_i32_0 : i32, i32
  }
}

</mosaic_0001>

<sc_bundles>
// kernel: kernel.11.cloned.1.call-start
scs
__scs_entry_jumppad:
0x0: {  	(pc) =	sbr.rel $0x88, $3  }
0x1: {  	(tag) =	ssettag $0x0;
	lr =	simm.s32 $0x1  }
0x2: {  	[smem:$0x3F99] =	sst lr;
	_ =	strace $0xD0000000  }
0x3: {  	_ = 	snop  }
0x4: {  	_ = 	snop  }
0x5: {  	_ = 	snop  }
0x6: {  	_ = 	snop  }
0x7: {  	_ = 	snop  }
__scs_overlays_trampoline_lowered:
0x8: {  	[smem:$0x3FA8] =	sst s0  }
0x9: {  	[smem:$0x3FA9] =	sst s1  }
0xa: {  	[smem:$0x3FAA] =	sst s2  }
0xb: {  	[smem:$0x3FAB] =	sst s3  }
0xc: {  	[smem:$0x3FAC] =	sst s4  }
0xd: {  	[smem:$0x3FAD] =	sst s5  }
0xe: {  	[smem:$0x3FAE] =	sst s6  }
0xf: {  	[smem:$0x3FAF] =	sst s7  }
0x10: {  	[smem:$0x3FB0] =	sst s8  }
0x11: {  	[smem:$0x3FB1] =	sst s9;
	s0 =	simm.s32 @!p0 $0x0  }
0x12: {  	s1 =	sld [smem:$0x3F97];
	s0 =	simm.s32 @p0 $0x1  }
0x13: {  	[smem:$0x3FB2] =	sst s0;
	s0 =	simm.s32 @!p1 $0x0  }
0x14: {  	s2 =	sld [smem:$0x3F96];
	s0 =	simm.s32 @p1 $0x1  }
0x15: {  	[smem:$0x3FB3] =	sst s0;
	s0 =	simm.s32 @!p2 $0x0  }
0x16: {  	s3 =	sld [smem:$0x3FDB];
	s0 =	simm.s32 @p2 $0x1  }
0x17: {  	s4 =	simm.s32 $0x1BF5;
	[smem:$0x3FB5] =	sst s0  }
0x18: {  	s0 =	sld [smem:$0x3F98];
	_ =	swait.ge [sflag:s4], $0x0  }
0x19: {  	s7 =	sld [smem:$0x3F99]  }
0x1a: {  	s8 =	sadd.s32 $0xFFFFE003, lr  }
0x1b: {  	s9 =	sadd.s32 $0xFFFFFEF7, lr;
	s5 =	simm.s32 $0xFFFFFFFF;
	p2 =	slt.u32 s8, $0xFFFFF086  }
0x1c: {  	p1 =	slt.u32 s9, $0xF7A;
	s5 =	simm.s32 @!p2 $0x0  }
0x1d: {  	s5 =	simm.s32 @p1 $0x1;
	p0 =	seq.s32 s7, s2  }
0x1e: {  	s7 =	smul.u32 @!p0 $0xF7A, s2;
	p2 =	seq.s32 @!p0 s5, $0x0  }
0x1f: {  	s9 =	smul.u32 $0xF7A, s1;
	s8 =	simm.s32 @!p0 $0x1BF5;
	p2 =	por !p2, p0  }
0x20: {  	[sflag:s8] =	ssyncset.s32 @!p0 $0xFFFFF086;
	s6 =	sadd.s32 @!p0 s3, s7;
	s7 =	simm.s32 @!p0 $0x108  }
0x21: {  	s3 =	sadd.s32 s3, s9;
	s6 =	sadd.s32 @!p0 $0x88, s6;
	s7 =	simm.s32 @p2 $0x1082  }
0x22: {  	[simem:s7], [sflag:s8] =	dma.local @!p0 [hbm:s6], $0xF7A  }
0x23: {  	s9 =	sor.u32 $0xD0000000, s2;
	s6 =	simm.s32 $0x108;
	_ =	swait.ge @!p0 [sflag:s8], $0x0  }
0x24: {  	s3 =	sadd.s32 $0x88, s3;
	s6 =	simm.s32 @!p1 $0x1082;
	[sflag:s4] =	ssyncset.s32 $0xFFFFF086  }
0x25: {  	[simem:s6], [sflag:s4] =	dma.local [hbm:s3], $0xF7A  }
0x26: {  	[smem:$0x3F99] =	sst s1;
	(tag) =	ssettag s2;
	_ =	strace s9  }
0x27: {  	s1 =	sld [smem:$0x3FA9]  }
0x28: {  	s2 =	sld [smem:$0x3FAA]  }
0x29: {  	s4 =	sld [smem:$0x3FAC]  }
0x2a: {  	p0 =	seq.s32 s5, $0x0;
	s5 =	sld [smem:$0x3FAD]  }
0x2b: {  	s6 =	sld [smem:$0x3FAE]  }
0x2c: {  	s7 =	sld [smem:$0x3FAF]  }
0x2d: {  	s3 =	simm.s32 $0x108;
	s8 =	sld [smem:$0x3FB0]  }
0x2e: {  	s3 =	simm.s32 @!p0 $0x1082;
	s9 =	sld [smem:$0x3FB1]  }
0x2f: {  	lr =	sadd.s32 s0, s3;
	s0 =	sld [smem:$0x3FA8]  }
0x30: {  	s3 =	sld [smem:$0x3FAB]  }
0x31: {  	[smem:$0x3FB4] =	sst s10  }
0x32: {  	s10 =	sld [smem:$0x3FB2];
	_ =	sdelay $0x3  }
0x33: {  	p0 =	seq.s32 s10, $0x1;
	s10 =	sld [smem:$0x3FB4];
	_ =	sdelay $0x3  }
0x34: {  	[smem:$0x3FB4] =	sst s10  }
0x35: {  	s10 =	sld [smem:$0x3FB3];
	_ =	sdelay $0x3  }
0x36: {  	p1 =	seq.s32 s10, $0x1;
	s10 =	sld [smem:$0x3FB4];
	_ =	sdelay $0x3  }
0x37: {  	[smem:$0x3FB4] =	sst s10  }
0x38: {  	s10 =	sld [smem:$0x3FB5]  }
0x39: {  	_ = 	snop;
	(pc) =	sbr.ind lr, $3  }
0x3a: {  	_ = 	snop  }
0x3b: {  	_ = 	snop  }
0x3c: {  	p2 =	seq.s32 s10, $0x1;
	s10 =	sld [smem:$0x3FB4]  }
0x3d: {  	_ =	shalt  }
0x3e: {  	_ =	shalt  }
0x3f: {  	_ =	shalt  }
0x40: {  	_ =	shalt  }
0x41: {  	_ =	shalt  }
0x42: {  	_ =	shalt  }
0x43: {  	_ =	shalt  }
0x44: {  	_ =	shalt  }
0x45: {  	_ =	shalt  }
0x46: {  	_ =	shalt  }
0x47: {  	_ =	shalt  }
0x48: {  	_ =	shalt  }
0x49: {  	_ =	shalt  }
0x4a: {  	_ =	shalt  }
0x4b: {  	_ =	shalt  }
0x4c: {  	_ =	shalt  }
0x4d: {  	_ =	shalt  }
0x4e: {  	_ =	shalt  }
0x4f: {  	_ =	shalt  }
0x50: {  	_ =	shalt  }
0x51: {  	_ =	shalt  }
0x52: {  	_ =	shalt  }
0x53: {  	_ =	shalt  }
0x54: {  	_ =	shalt  }
0x55: {  	_ =	shalt  }
0x56: {  	_ =	shalt  }
0x57: {  	_ =	shalt  }
0x58: {  	_ =	shalt  }
0x59: {  	_ =	shalt  }
0x5a: {  	_ =	shalt  }
0x5b: {  	_ =	shalt  }
0x5c: {  	_ =	shalt  }
0x5d: {  	_ =	shalt  }
0x5e: {  	_ =	shalt  }
0x5f: {  	_ =	shalt  }
0x60: {  	_ =	shalt  }
0x61: {  	_ =	shalt  }
0x62: {  	_ =	shalt  }
0x63: {  	_ =	shalt  }
0x64: {  	_ =	shalt  }
0x65: {  	_ =	shalt  }
0x66: {  	_ =	shalt  }
0x67: {  	_ =	shalt  }
0x68: {  	_ =	shalt  }
0x69: {  	_ =	shalt  }
0x6a: {  	_ =	shalt  }
0x6b: {  	_ =	shalt  }
0x6c: {  	_ =	shalt  }
0x6d: {  	_ =	shalt  }
0x6e: {  	_ =	shalt  }
0x6f: {  	_ =	shalt  }
0x70: {  	_ =	shalt  }
0x71: {  	_ =	shalt  }
0x72: {  	_ =	shalt  }
0x73: {  	_ =	shalt  }
0x74: {  	_ =	shalt  }
0x75: {  	_ =	shalt  }
0x76: {  	_ =	shalt  }
0x77: {  	_ =	shalt  }
0x78: {  	_ =	shalt  }
0x79: {  	_ =	shalt  }
0x7a: {  	_ =	shalt  }
0x7b: {  	_ =	shalt  }
0x7c: {  	_ =	shalt  }
0x7d: {  	_ =	shalt  }
0x7e: {  	_ =	shalt  }
0x7f: {  	_ =	shalt  }
0x80: {  	_ =	shalt  }
0x81: {  	_ =	shalt  }
0x82: {  	_ =	shalt  }
0x83: {  	_ =	shalt  }
0x84: {  	_ =	shalt  }
0x85: {  	_ =	shalt  }
0x86: {  	_ =	shalt  }
0x87: {  	_ =	shalt  }
.Lfunc_end0:
.L_simem_size_0:
called_computation.1_lowered:
.L_overlay_start_0:
0x88: {  	s2 =	sld [smem:$0x3FD9]  }
0x89: {  	s3 =	sld [smem:$0x3FFE];
	_ =	sdelay $0x1  }
0x8a: {  	s1 =	srdreg.scid  }
0x8b: {  	s0 =	sand.u32 $0x1, s1  }
0x8c: {  	s16 =	sshll.u32 s0, $0xA;
	s2 =	sadd.s32 s3, s2  }
0x8d: {  	s2 =	sadd.s32 s2, s16  }
0x8e: {  	[smem:$0x3FC0] =	sst s2  }
0x8f: {  	_ = 	snop  }
0x90: {  	(tm) =	ssettm $0x1  }
0x91: {  	s17 =	sld [smem:$0x3FFB];
	_ =	sdelay $0x3  }
0x92: {  	_ =	strace s17  }
0x93: {  	s2 =	sld [smem:$0x3FFC];
	_ =	sdelay $0x3  }
0x94: {  	_ =	strace s2  }
0x95: {  	s2 =	sld [smem:$0x3FFD];
	_ =	sdelay $0x3  }
0x96: {  	_ =	strace s2  }
0x97: {  	_ =	strace $0x8FFFFFFF  }
0x98: {  	s18 =	sld [smem:$0x3FDB];
	_ =	sdelay $0x1  }
0x99: {  	s19 =	simm.s32 $_scs_section_size  }
0x9a: {  	s4 =	simm.s32 $_size__tile_overlayer_lowered;
	s5 =	simm.s32 $_tile_overlayer_lowered  }
0x9b: {  	s22 =	simm.s32 $0x1BFF;
	s21 =	sshll.u32 s5, $0x1;
	s2 =	sadd.s32 s19, s18  }
0x9c: {  	s6 =	simm.s32 $0x0;
	s20 =	sshll.u32 s4, $0x1;
	s4 =	sadd.s32 s21, s2  }
0x9d: {  	[timem:s6], [sflag:s22] =	dma.local [hbm:s4], s20  }
0x9e: {  	_ =	swait.ge [sflag:s22], s20  }
0x9f: {  	s3 =	ssub.s32 $0x0, s20;
	[sflag:s22] =	ssyncset.done $0x0  }
0xa0: {  	[sflag:s22] =	ssyncadd.s32 s3;
	_ =	sdelay $0x1  }
0xa1: {  	s23 =	simm.s32 $0x1B8B  }
0xa2: {  	_ =	swait.ge [sflag:s23], $0x1  }
0xa3: {  	[sflag:s23] =	ssyncset.done $0x0  }
0xa4: {  	s25 =	simm.s32 $0x1B8E;
	s24 =	sld [smem:$0x3FFE];
	[sflag:s23] =	ssyncadd.s32 $0xFFFFFFFF  }
0xa5: {  	s26 =	simm.s32 $execute0_lowered;
	[smem:$0x3FD2] =	sst s25  }
0xa6: {  	s4 =	sshll.u32 s26, $0x1;
	_ =	strace $0x80000049;
	[dreg:$0x1] =	wrdreg $0xFFFFFFFF  }
0xa7: {  	s28 =	simm.s32 $_size_execute0_lowered;
	s2 =	sadd.s32 s2, s4;
	[dreg:$0x0] =	wrdreg $0x0  }
0xa8: {  	s4 =	sshll.u32 s28, $0x1;
	[dreg:$0x2] =	wrdreg s2  }
0xa9: {  	[dreg:$0x3] =	wrdreg s4  }
0xaa: {  	[dreg:$0x4] =	wrdreg $0xC0  }
0xab: {  	_ =	task [dreg:s6], $0x5FFFF  }
0xac: {  	[dreg:$0x1] =	wrdreg $0xFFFFFFFF  }
0xad: {  	[dreg:$0x0] =	wrdreg $0x60  }
0xae: {  	[dreg:$0x2] =	wrdreg s24  }
0xaf: {  	[dreg:$0x3] =	wrdreg $0x0  }
0xb0: {  	[dreg:$0x4] =	wrdreg $0x9  }
0xb1: {  	_ =	task.clear_ibuf [dreg:s6], $0x5FFFF;
	_ =	strace $0x90000049  }
0xb2: {  	s29 =	simm.s32 $0x9;
	_ =	strace $0x8000004B  }
0xb3: {  	_ =	swait.ge [sflag:s29], $0x1  }
0xb4: {  	[sflag:s29] =	ssyncadd.s32 $0xFFFFFFFF  }
0xb5: {  	_ =	strace $0x9000004B  }
0xb6: {  	_ =	sfence  }
0xb7: {  	s30 =	sld [smem:$0x0];
	_ =	sdelay $0x2  }
0xb8: {  	s31 =	sshll.u32 s1, $0xD;
	s1 =	sshrl.u32 s1, $0x2  }
0xb9: {  	s3 =	sand.u32 $0x4000, s31;
	s1 =	sadd.s32 s1, s30  }
0xba: {  	s0 =	sor.u32 s3, s0;
	s1 =	sshll.u32 s1, $0x11  }
0xbb: {  	s0 =	sor.u32 s1, s0  }
0xbc: {  	s0 =	sadd.s32 $0x8F2B, s0  }
0xbd: {  	[sflag:s0] =	ssyncadd.remote.s32 $0x1  }
0xbe: {  	_ =	sfence.sel $0xFFFF  }
0xbf: {  	[dreg:$0x0] =	wrdreg $0xFFFFFFFF;
	(pc) =	sbr.abs _section_cstart, $3  }
0xc0: {  	[dreg:$0x1] =	wrdreg $0xFFFFFFFF  }
0xc1: {  	_ =	task.clear_ibuf [dreg:s6], $0x2FFFF;
	_ =	strace $0x9FFFFFFF  }
0xc2: {  	(tm) =	ssettm $0x7FFFFFFF  }
0xc3: {  	_ =	shalt  }
tec
execute0_lowered:
.L_overlay_start_1:
0x0: {  	(tag) =	ssettag $0x1  }
0x1: {  	s0 =	srdreg.scid  }
0x2: {  	s17 =	stileid.u32;
	s1 =	rddreg [dreg:$0x0]  }
0x3: {  	s23 =	simm.s32 $0x0;
	s9 =	sand.u32 $0x1, s0;
	s0 =	smul.u32 $0x14000, s17  }
0x4: {  	s10 =	sadd.s32 $0x57600, s1;
	[smem:$0x7FF] =	sst s23;
	s2 =	ssub.s32 $0x2, s9  }
0x5: {  	s11 =	smul.u32 $0x140000, s9;
	s9 =	sshll.u32 s9, $0x4;
	s3 =	sshrl.u32 s2, $0x1  }
0x6: {  	s15 =	sshrl.u32 s0, $0x3;
	s4 =	sadd.s32 $0x4000, s0;
	s5 =	sadd.s32 $0x6000, s0  }
0x7: {  	s8 =	sadd.s32 $0xC000, s0;
	s9 =	sor.u32 s17, s9;
	s2 =	ssub.s32 s2, s3  }
0x8: {  	s3 =	sadd.s32 s10, s15;
	s7 =	sshrl.u32 s4, $0x3;
	s18 =	sshrl.u32 s5, $0x3  }
0x9: {  	s20 =	sshrl.u32 s8, $0x3;
	s24 =	sadd.s32 s11, s0;
	s9 =	smul.u32 $0x9E0, s9  }
0xa: {  	s28 =	sadd.s32 s11, s4;
	s29 =	sadd.s32 s11, s5;
	[dreg:$0x3] =	wrdreg s3  }
0xb: {  	s3 =	sor.u32 $0x2000, s0;
	s16 =	sadd.s32 s10, s7;
	s7 =	sadd.s32 $0xA000, s0  }
0xc: {  	s6 =	sshrl.u32 s3, $0x3;
	[dreg:$0x5] =	wrdreg s16;
	s13 =	sshrl.u32 s7, $0x3  }
0xd: {  	s16 =	sadd.s32 $0x12000, s0;
	s25 =	sadd.s32 s11, s3;
	s9 =	sadd.s32 s9, s1  }
0xe: {  	s6 =	sadd.s32 s10, s6;
	s19 =	sadd.s32 s10, s13;
	s13 =	sadd.s32 $0x10000, s0  }
0xf: {  	s22 =	sshrl.u32 s16, $0x3;
	[dreg:$0x4] =	wrdreg s6;
	s6 =	sadd.s32 s10, s18  }
0x10: {  	s15 =	sshrl.u32 s13, $0x3;
	[dreg:$0x6] =	wrdreg s6;
	s6 =	sadd.s32 $0x8000, s0  }
0x11: {  	[dreg:$0x8] =	wrdreg s19;
	s21 =	sadd.s32 s10, s15;
	s12 =	sshrl.u32 s6, $0x3  }
0x12: {  	s26 =	sshrl.u32 s25, $0x3;
	[dreg:$0xb] =	wrdreg s21;
	s12 =	sadd.s32 s10, s12  }
0x13: {  	s19 =	sadd.s32 s11, s7;
	[dreg:$0x7] =	wrdreg s12;
	s12 =	sadd.s32 s10, s20  }
0x14: {  	s15 =	sshrl.u32 s29, $0x3;
	[dreg:$0x9] =	wrdreg s12;
	s12 =	sadd.s32 $0xE000, s0  }
0x15: {  	s30 =	sadd.s32 s11, s6;
	s14 =	sshrl.u32 s12, $0x3;
	s21 =	sadd.s32 s11, s12  }
0x16: {  	s14 =	sadd.s32 s10, s14;
	s23 =	sshrl.u32 s21, $0x3;
	s21 =	rddreg [dreg:$0x1]  }
0x17: {  	s18 =	sshrl.u32 s30, $0x3;
	s10 =	sadd.s32 s10, s22;
	[dreg:$0xa] =	wrdreg s14  }
0x18: {  	s20 =	sadd.s32 s11, s8;
	[dreg:$0xc] =	wrdreg s10;
	s10 =	sshrl.u32 s24, $0x3  }
0x19: {  	s14 =	sadd.s32 $0x7F600, s1;
	s24 =	sadd.s32 s11, s13;
	s11 =	sadd.s32 s11, s16  }
0x1a: {  	s0 =	sadd.s32 s0, s21;
	s29 =	sadd.s32 s3, s21;
	s30 =	sadd.s32 s4, s21  }
0x1b: {  	s31 =	sadd.s32 s5, s21;
	s3 =	sadd.s32 s16, s21;
	s10 =	sadd.s32 s14, s10  }
0x1c: {  	s4 =	simm.s32 $0x8;
	[dreg:$0xd] =	wrdreg s10;
	s10 =	sadd.s32 s14, s26  }
0x1d: {  	s15 =	sadd.s32 s14, s15;
	[dreg:$0xe] =	wrdreg s10;
	s10 =	sshrl.u32 s28, $0x3  }
0x1e: {  	s5 =	simm.s32 $0x7;
	[dreg:$0x10] =	wrdreg s15;
	s10 =	sadd.s32 s14, s10  }
0x1f: {  	s11 =	sshrl.u32 s11, $0x3;
	[dreg:$0xf] =	wrdreg s10;
	s10 =	sadd.s32 s14, s18  }
0x20: {  	s25 =	sadd.s32 s14, s11;
	[dreg:$0x11] =	wrdreg s10;
	s10 =	sshrl.u32 s19, $0x3  }
0x21: {  	s15 =	sshrl.u32 s20, $0x3;
	[dreg:$0x16] =	wrdreg s25;
	s10 =	sadd.s32 s14, s10  }
0x22: {  	s26 =	sadd.s32 $0x1C800, s9;
	[dreg:$0x12] =	wrdreg s10;
	s10 =	sadd.s32 s14, s23  }
0x23: {  	s22 =	sadd.s32 s14, s15;
	[dreg:$0x14] =	wrdreg s10;
	s10 =	sshrl.u32 s24, $0x3  }
0x24: {  	s20 =	sadd.s32 s6, s21;
	[dreg:$0x13] =	wrdreg s22;
	s10 =	sadd.s32 s14, s10  }
0x25: {  	s11 =	sadd.s32 s8, s21;
	s28 =	smax.u32 s2, $0x1;
	[dreg:$0x15] =	wrdreg s10  }
.Ltmp0:
0x26: {  	_ =	strace $0x8000004A;
	[dreg:$0x17] =	wrdreg s26;
	(pc) =	sbr.rel .LBB2_1-.Ltmp0, $4  }
0x27: {  	s6 =	simm.s32 $0x40;
	s8 =	simm.s32 $0x5;
	[dreg:$0x18] =	wrdreg s28  }
0x28: {  	s9 =	simm.s32 $0x0;
	s2 =	sadd.s32 s13, s21;
	[dreg:$0x19] =	wrdreg s0  }
0x29: {  	s24 =	sadd.s32 $0x30400, s1;
	s1 =	sadd.s32 s12, s21;
	[dreg:$0x1a] =	wrdreg s29  }
0x2a: {  	[dreg:$0x1b] =	wrdreg s30;
	s0 =	sadd.s32 s7, s21;
	s7 =	simm.s32 $0x4  }
.LBB2_7:
0x2b: {  	_ =	swait.ge [sflag:s7], $0x2000  }
0x2c: {  	[sflag:s7] =	ssyncset.done $0x0  }
0x2d: {  	[sflag:s7] =	ssyncadd.s32 $0xFFFFE000  }
0x2e: {  	_ =	swait.ge [sflag:s8], $0x2000  }
0x2f: {  	[sflag:s8] =	ssyncset.done $0x0  }
0x30: {  	[sflag:s8] =	ssyncadd.s32 $0xFFFFE000  }
0x31: {  	[bflag:$0x0] =	sbarrier.arrive $0xFFFF  }
0x32: {  	s14 =	rddreg [dreg:$0xd]  }
0x33: {  	[hbm:s14], [sflag:s10] =	dma.local [spmem:s12], $0x400  }
0x34: {  	s12 =	rddreg [dreg:$0xe]  }
0x35: {  	[hbm:s12], [sflag:s10] =	dma.local [spmem:s13], $0x400  }
0x36: {  	s12 =	rddreg [dreg:$0xf]  }
0x37: {  	[hbm:s12], [sflag:s10] =	dma.local [spmem:s15], $0x400  }
0x38: {  	s12 =	rddreg [dreg:$0x10]  }
0x39: {  	[hbm:s12], [sflag:s10] =	dma.local [spmem:s16], $0x400  }
0x3a: {  	s12 =	rddreg [dreg:$0x11]  }
0x3b: {  	[hbm:s12], [sflag:s10] =	dma.local [spmem:s17], $0x400  }
0x3c: {  	s12 =	rddreg [dreg:$0x12]  }
0x3d: {  	[hbm:s12], [sflag:s10] =	dma.local [spmem:s18], $0x400  }
0x3e: {  	s12 =	rddreg [dreg:$0x13]  }
0x3f: {  	[hbm:s12], [sflag:s10] =	dma.local [spmem:s19], $0x400  }
0x40: {  	s12 =	rddreg [dreg:$0x14]  }
0x41: {  	[hbm:s12], [sflag:s10] =	dma.local [spmem:s22], $0x400  }
0x42: {  	s12 =	rddreg [dreg:$0x15]  }
0x43: {  	[hbm:s12], [sflag:s10] =	dma.local [spmem:s23], $0x400  }
0x44: {  	s12 =	rddreg [dreg:$0x16]  }
0x45: {  	[hbm:s12], [sflag:s10] =	dma.local [spmem:s25], $0x400  }
0x46: {  	_ =	swait.ge [sflag:s5], $0x400  }
0x47: {  	[sflag:s5] =	ssyncset.done $0x0  }
0x48: {  	[sflag:s5] =	ssyncadd.s32 $0xFFFFFC00  }
0x49: {  	_ =	swait.ge [sflag:s5], $0x400  }
0x4a: {  	[sflag:s5] =	ssyncset.done $0x0  }
0x4b: {  	[sflag:s5] =	ssyncadd.s32 $0xFFFFFC00  }
0x4c: {  	_ =	swait.ge [sflag:s5], $0x400  }
0x4d: {  	[sflag:s5] =	ssyncset.done $0x0  }
0x4e: {  	[sflag:s5] =	ssyncadd.s32 $0xFFFFFC00  }
0x4f: {  	_ =	swait.ge [sflag:s5], $0x400  }
0x50: {  	[sflag:s5] =	ssyncset.done $0x0  }
0x51: {  	[sflag:s5] =	ssyncadd.s32 $0xFFFFFC00  }
0x52: {  	_ =	swait.ge [sflag:s5], $0x400  }
0x53: {  	[sflag:s5] =	ssyncset.done $0x0  }
0x54: {  	[sflag:s5] =	ssyncadd.s32 $0xFFFFFC00  }
0x55: {  	_ =	swait.ge [sflag:s5], $0x400  }
0x56: {  	[sflag:s5] =	ssyncset.done $0x0  }
0x57: {  	[sflag:s5] =	ssyncadd.s32 $0xFFFFFC00  }
0x58: {  	_ =	swait.ge [sflag:s5], $0x400  }
0x59: {  	[sflag:s5] =	ssyncset.done $0x0  }
0x5a: {  	[sflag:s5] =	ssyncadd.s32 $0xFFFFFC00  }
0x5b: {  	_ =	swait.ge [sflag:s5], $0x400  }
0x5c: {  	[sflag:s5] =	ssyncset.done $0x0  }
0x5d: {  	[sflag:s5] =	ssyncadd.s32 $0xFFFFFC00  }
0x5e: {  	_ =	swait.ge [sflag:s5], $0x400  }
0x5f: {  	[sflag:s5] =	ssyncset.done $0x0  }
0x60: {  	[sflag:s5] =	ssyncadd.s32 $0xFFFFFC00  }
0x61: {  	_ =	swait.ge [sflag:s5], $0x400  }
0x62: {  	s9 =	sadd.s32 $0x1, s9;
	s30 =	rddreg [dreg:$0x18]  }
0x63: {  	p0 =	sne.s32 s9, s30  }
.Ltmp1:
0x64: {  	_ = 	snop;
	(pc) =	sbr.rel @!p0 .LBB2_8-.Ltmp1, $3  }
0x65: {  	_ =	sdelay $0x1  }
0x66: {  	[sflag:s5] =	ssyncset.done $0x0  }
0x67: {  	[sflag:s5] =	ssyncadd.s32 $0xFFFFFC00  }
.LBB2_1:
0x68: {  	s14 =	simm.s32 $0x14000  }
0x69: {  	s10 =	simm.s32 $0x0;
	s12 =	rddreg [dreg:$0x17];
	s29 =	stileid.u32  }
0x6a: {  	[tilespmem:s14], [sflag:$0x8] =	stream.linear.gather [hbm4b:s12+s10], $0x4F00, $0x38;
	[tilespmem:$0x1EF00] =	vst v63  }
0x6b: {  	s10 =	sshll.u32 s29, $0x6;
	_ =	swait.ge [sflag:s4], $0x4F00  }
0x6c: {  	s10 =	sor.u32 $0x1C07, s10;
	[sflag:s4] =	ssyncset.done $0x0;
	s30 =	rddreg [dreg:$0x19]  }
0x6d: {  	s13 =	rddreg [dreg:$0x3];
	[sflag:s4] =	ssyncadd.s32 $0xFFFFB100;
	s12 =	sshrl.u32 s30, $0x3  }
0x6e: {  	[spmem:s12], [sflag:s10] =	dma.local [hbm:s13], $0x400  }
0x6f: {  	s13 =	rddreg [dreg:$0x1a]  }
0x70: {  	s15 =	rddreg [dreg:$0x4];
	s13 =	sshrl.u32 s13, $0x3  }
0x71: {  	[spmem:s13], [sflag:s10] =	dma.local [hbm:s15], $0x400  }
0x72: {  	s15 =	rddreg [dreg:$0x1b]  }
0x73: {  	s16 =	rddreg [dreg:$0x5];
	s15 =	sshrl.u32 s15, $0x3  }
0x74: {  	[spmem:s15], [sflag:s10] =	dma.local [hbm:s16], $0x400  }
0x75: {  	s16 =	sshrl.u32 s31, $0x3;
	s17 =	rddreg [dreg:$0x6]  }
0x76: {  	[spmem:s16], [sflag:s10] =	dma.local [hbm:s17], $0x400  }
0x77: {  	s17 =	sshrl.u32 s20, $0x3;
	s18 =	rddreg [dreg:$0x7]  }
0x78: {  	[spmem:s17], [sflag:s10] =	dma.local [hbm:s18], $0x400  }
0x79: {  	s18 =	sshrl.u32 s0, $0x3;
	s19 =	rddreg [dreg:$0x8]  }
0x7a: {  	[spmem:s18], [sflag:s10] =	dma.local [hbm:s19], $0x400  }
0x7b: {  	s19 =	sshrl.u32 s11, $0x3;
	s22 =	rddreg [dreg:$0x9]  }
0x7c: {  	[spmem:s19], [sflag:s10] =	dma.local [hbm:s22], $0x400  }
0x7d: {  	s22 =	sshrl.u32 s1, $0x3;
	s23 =	rddreg [dreg:$0xa]  }
0x7e: {  	[spmem:s22], [sflag:s10] =	dma.local [hbm:s23], $0x400  }
0x7f: {  	s23 =	sshrl.u32 s2, $0x3;
	s25 =	rddreg [dreg:$0xb]  }
0x80: {  	[spmem:s23], [sflag:s10] =	dma.local [hbm:s25], $0x400  }
0x81: {  	s25 =	sshrl.u32 s3, $0x3;
	s26 =	rddreg [dreg:$0xc]  }
0x82: {  	[spmem:s25], [sflag:s10] =	dma.local [hbm:s26], $0x400  }
0x83: {  	_ =	swait.ge [sflag:s5], $0x400  }
0x84: {  	[sflag:s5] =	ssyncset.done $0x0  }
0x85: {  	[sflag:s5] =	ssyncadd.s32 $0xFFFFFC00  }
0x86: {  	_ =	swait.ge [sflag:s5], $0x400  }
0x87: {  	[sflag:s5] =	ssyncset.done $0x0  }
0x88: {  	[sflag:s5] =	ssyncadd.s32 $0xFFFFFC00  }
0x89: {  	_ =	swait.ge [sflag:s5], $0x400  }
0x8a: {  	[sflag:s5] =	ssyncset.done $0x0  }
0x8b: {  	[sflag:s5] =	ssyncadd.s32 $0xFFFFFC00  }
0x8c: {  	_ =	swait.ge [sflag:s5], $0x400  }
0x8d: {  	[sflag:s5] =	ssyncset.done $0x0  }
0x8e: {  	[sflag:s5] =	ssyncadd.s32 $0xFFFFFC00  }
0x8f: {  	_ =	swait.ge [sflag:s5], $0x400  }
0x90: {  	[sflag:s5] =	ssyncset.done $0x0  }
0x91: {  	[sflag:s5] =	ssyncadd.s32 $0xFFFFFC00  }
0x92: {  	_ =	swait.ge [sflag:s5], $0x400  }
0x93: {  	[sflag:s5] =	ssyncset.done $0x0  }
0x94: {  	[sflag:s5] =	ssyncadd.s32 $0xFFFFFC00  }
0x95: {  	_ =	swait.ge [sflag:s5], $0x400  }
0x96: {  	[sflag:s5] =	ssyncset.done $0x0  }
0x97: {  	[sflag:s5] =	ssyncadd.s32 $0xFFFFFC00  }
0x98: {  	_ =	swait.ge [sflag:s5], $0x400  }
0x99: {  	[sflag:s5] =	ssyncset.done $0x0  }
0x9a: {  	[sflag:s5] =	ssyncadd.s32 $0xFFFFFC00  }
0x9b: {  	_ =	swait.ge [sflag:s5], $0x400  }
0x9c: {  	[sflag:s5] =	ssyncset.done $0x0  }
0x9d: {  	[sflag:s5] =	ssyncadd.s32 $0xFFFFFC00  }
.Ltmp2:
0x9e: {  	_ =	swait.ge [sflag:s5], $0x400;
	(pc) =	sbr.rel .LBB2_2-.Ltmp2, $4  }
0x9f: {  	[sflag:s5] =	ssyncset.done $0x0  }
0xa0: {  	[sflag:s5] =	ssyncadd.s32 $0xFFFFFC00  }
0xa1: {  	[bflag:$0x0] =	sbarrier.arrive $0xFFFF  }
0xa2: {  	s26 =	simm.s32 $0x0  }
.LBB2_3:
0xa3: {  	s29 =	sadd.s32 $0x4, s28  }
0xa4: {  	_ =	swait.ge [sflag:s29], $0x2000  }
0xa5: {  	p0 =	seq.s32 s26, $0x9E;
	[sflag:s29] =	ssyncset.done $0x0  }
0xa6: {  	[sflag:s29] =	ssyncadd.s32 $0xFFFFE000;
	s29 =	sshll.u32 @!p0 s28, $0xD  }
0xa7: {  	s30 =	simm.s32 @!p0 $0x40;
	s28 =	sadd.s32 @!p0 $0x1, s28;
	s29 =	sadd.s32 @!p0 $0x18F00, s29  }
0xa8: {  	[tilespmem:s29], [sflag:s28] =	stream.indirect.gather @!p0 [hbm4b:s24+s30], $0x80, s14, s30, $0xb8;
	[tilespmem:$0x1EF00] =	vst v63  }
.LBB2_5:
0xa9: {  	s28 =	sadd.s32 $0xFFFFFFFF, s26  }
0xaa: {  	s29 =	sand.u32 $0xFF, s28  }
0xab: {  	s29 =	smul.u32 $0xAB, s29;
	_ =	sdelay $0x1  }
0xac: {  	s29 =	sshrl.u32 s29, $0x9  }
0xad: {  	s29 =	smul.u32 $0x3, s29;
	_ =	sdelay $0x1  }
0xae: {  	s28 =	ssub.s32 s28, s29  }
0xaf: {  	s28 =	sand.u32 $0xFF, s28  }
0xb0: {  	s29 =	sadd.s32 $0x1, s28  }
0xb1: {  	_ =	swait.ge [sflag:s29], $0x2000  }
0xb2: {  	s30 =	sshll.u32 s28, $0xD;
	s28 =	sor.u32 $0x4, s28;
	[sflag:s29] =	ssyncset.done $0x0  }
0xb3: {  	s30 =	sor.u32 $0x18F00, s30;
	[sflag:s29] =	ssyncadd.s32 $0xFFFFE000;
	s29 =	sadd.s32 $0xFFFFFFC0, s14  }
0xb4: {  	[spmem:s21] =	stream.indirect.scatter.add.f32 [tilespmem:s30], [sflag:s28], $0x80, s29, s6, $0xb8;
	[tilespmem:$0x1EF00] =	vst v63  }
.LBB2_6:
0xb5: {  	s26 =	sadd.s32 $0x1, s26  }
0xb6: {  	p0 =	sne.s32 s26, $0x9F  }
.Ltmp3:
0xb7: {  	_ = 	snop;
	(pc) =	sbr.rel @!p0 .LBB2_7-.Ltmp3, $2  }
0xb8: {  	_ =	sdelay $0x2  }
0xb9: {  	s14 =	sadd.s32 $0x80, s14  }
.LBB2_2:
0xba: {  	s28 =	smul.u32 $0xAB, s26;
	_ =	sdelay $0x1  }
0xbb: {  	p0 =	slt.u32 s26, $0x3;
	s28 =	sshrl.u32 s28, $0x9  }
.Ltmp4:
0xbc: {  	s28 =	sand.u32 $0x7F, s28;
	(pc) =	sbr.rel @!p0 .LBB2_3-.Ltmp4, $3  }
0xbd: {  	s28 =	smul.u32 $0x3, s28;
	_ =	sdelay $0x1  }
0xbe: {  	s28 =	ssub.s32 s26, s28  }
0xbf: {  	s28 =	sand.u32 $0xFF, s28  }
0xc0: {  	p0 =	seq.s32 s26, $0x0  }
.Ltmp5:
0xc1: {  	_ = 	snop;
	(pc) =	sbr.rel @!p0 .LBB2_5-.Ltmp5, $4  }
.Ltmp6:
0xc2: {  	_ = 	snop;
	(pc) =	sbr.rel @p0 .LBB2_6-.Ltmp6, $4  }
0xc3: {  	s29 =	sshll.u32 s28, $0xD  }
0xc4: {  	s30 =	sadd.s32 $0x1, s28;
	s29 =	sadd.s32 $0x18F00, s29  }
0xc5: {  	[tilespmem:s29], [sflag:s30] =	stream.indirect.gather [hbm4b:s24+s6], $0x80, s14, s6, $0xb8;
	[tilespmem:$0x1EF00] =	vst v63  }
0xc6: {  	_ = 	snop  }
.LBB2_8:
0xc7: {  	_ =	sfence.sel $0x180000  }
0xc8: {  	[bflag:$0x0] =	sbarrier.arrive $0xFFFF  }
0xc9: {  	_ =	strace $0x9000004A  }
0xca: {  	s0 =	stileid.u32;
	[bflag:$0x2] =	sbarrier.arrive $0xFFFF  }
0xcb: {  	p0 =	sne.s32 s0, $0x0;
	s0 =	rddreg [dreg:$0x2]  }
0xcc: {  	s0 =	sadd.s32 @!p0 $0x100000, s0  }
0xcd: {  	[sflag:s0] =	ssyncadd.tile.s32 @!p0 $0x1;
	_ =	shalt  }
.Lfunc_end2:
_tile_overlayer_lowered:
.L_overlay_start_2:
0xce: {  	(tag) =	ssettag $0x2  }
0xcf: {  	s0 =	rddreg [dreg:$0x0];
	s2 =	stileid.u32  }
0xd0: {  	s1 =	rddreg [dreg:$0x1];
	p0 =	sne.s32 s2, $0x0  }
0xd1: {  	s3 =	rddreg [dreg:$0x2];
	[bflag:$0x3] =	sbarrier.arrive $0xFFFF;
	s2 =	simm.s32 @!p0 $0x1C08  }
0xd2: {  	[timem:s3], [sflag:s2] =	dma.local @!p0 [hbm:s0], s1  }
0xd3: {  	s0 =	simm.s32 @!p0 $0x8  }
0xd4: {  	_ =	swait.ge @!p0 [sflag:s0], s1  }
0xd5: {  	s1 =	ssub.s32 @!p0 $0x0, s1;
	[sflag:s0] =	ssyncset.done @!p0 $0x0  }
0xd6: {  	[sflag:s0] =	ssyncadd.s32 @!p0 s1  }
0xd7: {  	[bflag:$0x3] =	sbarrier.arrive $0xFFFF  }
0xd8: {  	_ =	shalt  }

// kernel: kernel.14.cloned.1.call-start
scs
__scs_entry_jumppad:
0x0: {  	(pc) =	sbr.rel $0x88, $3  }
0x1: {  	(tag) =	ssettag $0x0;
	lr =	simm.s32 $0x1  }
0x2: {  	[smem:$0x3F99] =	sst lr;
	_ =	strace $0xD0000000  }
0x3: {  	_ = 	snop  }
0x4: {  	_ = 	snop  }
0x5: {  	_ = 	snop  }
0x6: {  	_ = 	snop  }
0x7: {  	_ = 	snop  }
__scs_overlays_trampoline_lowered:
0x8: {  	[smem:$0x3FA8] =	sst s0  }
0x9: {  	[smem:$0x3FA9] =	sst s1  }
0xa: {  	[smem:$0x3FAA] =	sst s2  }
0xb: {  	[smem:$0x3FAB] =	sst s3  }
0xc: {  	[smem:$0x3FAC] =	sst s4  }
0xd: {  	[smem:$0x3FAD] =	sst s5  }
0xe: {  	[smem:$0x3FAE] =	sst s6  }
0xf: {  	[smem:$0x3FAF] =	sst s7  }
0x10: {  	[smem:$0x3FB0] =	sst s8  }
0x11: {  	[smem:$0x3FB1] =	sst s9;
	s0 =	simm.s32 @!p0 $0x0  }
0x12: {  	s1 =	sld [smem:$0x3F97];
	s0 =	simm.s32 @p0 $0x1  }
0x13: {  	[smem:$0x3FB2] =	sst s0;
	s0 =	simm.s32 @!p1 $0x0  }
0x14: {  	s2 =	sld [smem:$0x3F96];
	s0 =	simm.s32 @p1 $0x1  }
0x15: {  	[smem:$0x3FB3] =	sst s0;
	s0 =	simm.s32 @!p2 $0x0  }
0x16: {  	s3 =	sld [smem:$0x3FDB];
	s0 =	simm.s32 @p2 $0x1  }
0x17: {  	s4 =	simm.s32 $0x1BF5;
	[smem:$0x3FB5] =	sst s0  }
0x18: {  	s0 =	sld [smem:$0x3F98];
	_ =	swait.ge [sflag:s4], $0x0  }
0x19: {  	s7 =	sld [smem:$0x3F99]  }
0x1a: {  	s8 =	sadd.s32 $0xFFFFE003, lr  }
0x1b: {  	s9 =	sadd.s32 $0xFFFFFEF7, lr;
	s5 =	simm.s32 $0xFFFFFFFF;
	p2 =	slt.u32 s8, $0xFFFFF086  }
0x1c: {  	p1 =	slt.u32 s9, $0xF7A;
	s5 =	simm.s32 @!p2 $0x0  }
0x1d: {  	s5 =	simm.s32 @p1 $0x1;
	p0 =	seq.s32 s7, s2  }
0x1e: {  	s7 =	smul.u32 @!p0 $0xF7A, s2;
	p2 =	seq.s32 @!p0 s5, $0x0  }
0x1f: {  	s9 =	smul.u32 $0xF7A, s1;
	s8 =	simm.s32 @!p0 $0x1BF5;
	p2 =	por !p2, p0  }
0x20: {  	[sflag:s8] =	ssyncset.s32 @!p0 $0xFFFFF086;
	s6 =	sadd.s32 @!p0 s3, s7;
	s7 =	simm.s32 @!p0 $0x108  }
0x21: {  	s3 =	sadd.s32 s3, s9;
	s6 =	sadd.s32 @!p0 $0x88, s6;
	s7 =	simm.s32 @p2 $0x1082  }
0x22: {  	[simem:s7], [sflag:s8] =	dma.local @!p0 [hbm:s6], $0xF7A  }
0x23: {  	s9 =	sor.u32 $0xD0000000, s2;
	s6 =	simm.s32 $0x108;
	_ =	swait.ge @!p0 [sflag:s8], $0x0  }
0x24: {  	s3 =	sadd.s32 $0x88, s3;
	s6 =	simm.s32 @!p1 $0x1082;
	[sflag:s4] =	ssyncset.s32 $0xFFFFF086  }
0x25: {  	[simem:s6], [sflag:s4] =	dma.local [hbm:s3], $0xF7A  }
0x26: {  	[smem:$0x3F99] =	sst s1;
	(tag) =	ssettag s2;
	_ =	strace s9  }
0x27: {  	s1 =	sld [smem:$0x3FA9]  }
0x28: {  	s2 =	sld [smem:$0x3FAA]  }
0x29: {  	s4 =	sld [smem:$0x3FAC]  }
0x2a: {  	p0 =	seq.s32 s5, $0x0;
	s5 =	sld [smem:$0x3FAD]  }
0x2b: {  	s6 =	sld [smem:$0x3FAE]  }
0x2c: {  	s7 =	sld [smem:$0x3FAF]  }
0x2d: {  	s3 =	simm.s32 $0x108;
	s8 =	sld [smem:$0x3FB0]  }
0x2e: {  	s3 =	simm.s32 @!p0 $0x1082;
	s9 =	sld [smem:$0x3FB1]  }
0x2f: {  	lr =	sadd.s32 s0, s3;
	s0 =	sld [smem:$0x3FA8]  }
0x30: {  	s3 =	sld [smem:$0x3FAB]  }
0x31: {  	[smem:$0x3FB4] =	sst s10  }
0x32: {  	s10 =	sld [smem:$0x3FB2];
	_ =	sdelay $0x3  }
0x33: {  	p0 =	seq.s32 s10, $0x1;
	s10 =	sld [smem:$0x3FB4];
	_ =	sdelay $0x3  }
0x34: {  	[smem:$0x3FB4] =	sst s10  }
0x35: {  	s10 =	sld [smem:$0x3FB3];
	_ =	sdelay $0x3  }
0x36: {  	p1 =	seq.s32 s10, $0x1;
	s10 =	sld [smem:$0x3FB4];
	_ =	sdelay $0x3  }
0x37: {  	[smem:$0x3FB4] =	sst s10  }
0x38: {  	s10 =	sld [smem:$0x3FB5]  }
0x39: {  	_ = 	snop;
	(pc) =	sbr.ind lr, $3  }
0x3a: {  	_ = 	snop  }
0x3b: {  	_ = 	snop  }
0x3c: {  	p2 =	seq.s32 s10, $0x1;
	s10 =	sld [smem:$0x3FB4]  }
0x3d: {  	_ =	shalt  }
0x3e: {  	_ =	shalt  }
0x3f: {  	_ =	shalt  }
0x40: {  	_ =	shalt  }
0x41: {  	_ =	shalt  }
0x42: {  	_ =	shalt  }
0x43: {  	_ =	shalt  }
0x44: {  	_ =	shalt  }
0x45: {  	_ =	shalt  }
0x46: {  	_ =	shalt  }
0x47: {  	_ =	shalt  }
0x48: {  	_ =	shalt  }
0x49: {  	_ =	shalt  }
0x4a: {  	_ =	shalt  }
0x4b: {  	_ =	shalt  }
0x4c: {  	_ =	shalt  }
0x4d: {  	_ =	shalt  }
0x4e: {  	_ =	shalt  }
0x4f: {  	_ =	shalt  }
0x50: {  	_ =	shalt  }
0x51: {  	_ =	shalt  }
0x52: {  	_ =	shalt  }
0x53: {  	_ =	shalt  }
0x54: {  	_ =	shalt  }
0x55: {  	_ =	shalt  }
0x56: {  	_ =	shalt  }
0x57: {  	_ =	shalt  }
0x58: {  	_ =	shalt  }
0x59: {  	_ =	shalt  }
0x5a: {  	_ =	shalt  }
0x5b: {  	_ =	shalt  }
0x5c: {  	_ =	shalt  }
0x5d: {  	_ =	shalt  }
0x5e: {  	_ =	shalt  }
0x5f: {  	_ =	shalt  }
0x60: {  	_ =	shalt  }
0x61: {  	_ =	shalt  }
0x62: {  	_ =	shalt  }
0x63: {  	_ =	shalt  }
0x64: {  	_ =	shalt  }
0x65: {  	_ =	shalt  }
0x66: {  	_ =	shalt  }
0x67: {  	_ =	shalt  }
0x68: {  	_ =	shalt  }
0x69: {  	_ =	shalt  }
0x6a: {  	_ =	shalt  }
0x6b: {  	_ =	shalt  }
0x6c: {  	_ =	shalt  }
0x6d: {  	_ =	shalt  }
0x6e: {  	_ =	shalt  }
0x6f: {  	_ =	shalt  }
0x70: {  	_ =	shalt  }
0x71: {  	_ =	shalt  }
0x72: {  	_ =	shalt  }
0x73: {  	_ =	shalt  }
0x74: {  	_ =	shalt  }
0x75: {  	_ =	shalt  }
0x76: {  	_ =	shalt  }
0x77: {  	_ =	shalt  }
0x78: {  	_ =	shalt  }
0x79: {  	_ =	shalt  }
0x7a: {  	_ =	shalt  }
0x7b: {  	_ =	shalt  }
0x7c: {  	_ =	shalt  }
0x7d: {  	_ =	shalt  }
0x7e: {  	_ =	shalt  }
0x7f: {  	_ =	shalt  }
0x80: {  	_ =	shalt  }
0x81: {  	_ =	shalt  }
0x82: {  	_ =	shalt  }
0x83: {  	_ =	shalt  }
0x84: {  	_ =	shalt  }
0x85: {  	_ =	shalt  }
0x86: {  	_ =	shalt  }
0x87: {  	_ =	shalt  }
.Lfunc_end0:
.L_simem_size_0:
called_computation.2_lowered:
.L_overlay_start_0:
0x88: {  	s2 =	sld [smem:$0x3FD9]  }
0x89: {  	s3 =	sld [smem:$0x3FFE];
	_ =	sdelay $0x1  }
0x8a: {  	s1 =	srdreg.scid  }
0x8b: {  	s0 =	sand.u32 $0x1, s1  }
0x8c: {  	s16 =	sshll.u32 s0, $0xA;
	s2 =	sadd.s32 s3, s2  }
0x8d: {  	s2 =	sadd.s32 s2, s16  }
0x8e: {  	[smem:$0x3FC0] =	sst s2  }
0x8f: {  	_ = 	snop  }
0x90: {  	(tm) =	ssettm $0x1  }
0x91: {  	s17 =	sld [smem:$0x3FFB];
	_ =	sdelay $0x3  }
0x92: {  	_ =	strace s17  }
0x93: {  	s2 =	sld [smem:$0x3FFC];
	_ =	sdelay $0x3  }
0x94: {  	_ =	strace s2  }
0x95: {  	s2 =	sld [smem:$0x3FFD];
	_ =	sdelay $0x3  }
0x96: {  	_ =	strace s2  }
0x97: {  	_ =	strace $0x8FFFFFFF  }
0x98: {  	s18 =	sld [smem:$0x3FDB];
	_ =	sdelay $0x1  }
0x99: {  	s19 =	simm.s32 $_scs_section_size  }
0x9a: {  	s4 =	simm.s32 $_size__tile_overlayer_lowered;
	s5 =	simm.s32 $_tile_overlayer_lowered  }
0x9b: {  	s22 =	simm.s32 $0x1BFF;
	s21 =	sshll.u32 s5, $0x1;
	s2 =	sadd.s32 s19, s18  }
0x9c: {  	s6 =	simm.s32 $0x0;
	s20 =	sshll.u32 s4, $0x1;
	s4 =	sadd.s32 s21, s2  }
0x9d: {  	[timem:s6], [sflag:s22] =	dma.local [hbm:s4], s20  }
0x9e: {  	_ =	swait.ge [sflag:s22], s20  }
0x9f: {  	s3 =	ssub.s32 $0x0, s20;
	[sflag:s22] =	ssyncset.done $0x0  }
0xa0: {  	[sflag:s22] =	ssyncadd.s32 s3;
	_ =	sdelay $0x1  }
0xa1: {  	s23 =	simm.s32 $0x1B8B  }
0xa2: {  	_ =	swait.ge [sflag:s23], $0x1  }
0xa3: {  	[sflag:s23] =	ssyncset.done $0x0  }
0xa4: {  	s25 =	simm.s32 $0x1B8E;
	s24 =	sld [smem:$0x3FFE];
	[sflag:s23] =	ssyncadd.s32 $0xFFFFFFFF  }
0xa5: {  	s26 =	simm.s32 $execute0_lowered;
	[smem:$0x3FD2] =	sst s25  }
0xa6: {  	s4 =	sshll.u32 s26, $0x1;
	_ =	strace $0x8000004C;
	[dreg:$0x1] =	wrdreg $0xFFFFFFFF  }
0xa7: {  	s28 =	simm.s32 $_size_execute0_lowered;
	s2 =	sadd.s32 s2, s4;
	[dreg:$0x0] =	wrdreg $0x0  }
0xa8: {  	s4 =	sshll.u32 s28, $0x1;
	[dreg:$0x2] =	wrdreg s2  }
0xa9: {  	[dreg:$0x3] =	wrdreg s4  }
0xaa: {  	[dreg:$0x4] =	wrdreg $0xC0  }
0xab: {  	_ =	task [dreg:s6], $0x5FFFF  }
0xac: {  	[dreg:$0x1] =	wrdreg $0xFFFFFFFF  }
0xad: {  	[dreg:$0x0] =	wrdreg $0x60  }
0xae: {  	[dreg:$0x2] =	wrdreg s24  }
0xaf: {  	[dreg:$0x3] =	wrdreg $0x0  }
0xb0: {  	[dreg:$0x4] =	wrdreg $0x9  }
0xb1: {  	_ =	task.clear_ibuf [dreg:s6], $0x5FFFF;
	_ =	strace $0x9000004C  }
0xb2: {  	s29 =	simm.s32 $0x9;
	_ =	strace $0x8000004E  }
0xb3: {  	_ =	swait.ge [sflag:s29], $0x1  }
0xb4: {  	[sflag:s29] =	ssyncadd.s32 $0xFFFFFFFF  }
0xb5: {  	_ =	strace $0x9000004E  }
0xb6: {  	_ =	sfence  }
0xb7: {  	s30 =	sld [smem:$0x0];
	_ =	sdelay $0x2  }
0xb8: {  	s31 =	sshll.u32 s1, $0xD;
	s1 =	sshrl.u32 s1, $0x2  }
0xb9: {  	s3 =	sand.u32 $0x4000, s31;
	s1 =	sadd.s32 s1, s30  }
0xba: {  	s0 =	sor.u32 s3, s0;
	s1 =	sshll.u32 s1, $0x11  }
0xbb: {  	s0 =	sor.u32 s1, s0  }
0xbc: {  	s0 =	sadd.s32 $0x8F2B, s0  }
0xbd: {  	[sflag:s0] =	ssyncadd.remote.s32 $0x1  }
0xbe: {  	_ =	sfence.sel $0xFFFF  }
0xbf: {  	[dreg:$0x0] =	wrdreg $0xFFFFFFFF;
	(pc) =	sbr.abs _section_cstart, $3  }
0xc0: {  	[dreg:$0x1] =	wrdreg $0xFFFFFFFF  }
0xc1: {  	_ =	task.clear_ibuf [dreg:s6], $0x2FFFF;
	_ =	strace $0x9FFFFFFF  }
0xc2: {  	(tm) =	ssettm $0x7FFFFFFF  }
0xc3: {  	_ =	shalt  }
tec
execute0_lowered:
.L_overlay_start_1:
0x0: {  	(tag) =	ssettag $0x1  }
0x1: {  	s0 =	srdreg.scid  }
0x2: {  	s17 =	stileid.u32;
	s1 =	rddreg [dreg:$0x0]  }
0x3: {  	s23 =	simm.s32 $0x0;
	s9 =	sand.u32 $0x1, s0;
	s0 =	smul.u32 $0x14000, s17  }
0x4: {  	s10 =	sadd.s32 $0x57600, s1;
	[smem:$0x7FF] =	sst s23;
	s2 =	ssub.s32 $0x2, s9  }
0x5: {  	s11 =	smul.u32 $0x140000, s9;
	s9 =	sshll.u32 s9, $0x4;
	s3 =	sshrl.u32 s2, $0x1  }
0x6: {  	s15 =	sshrl.u32 s0, $0x3;
	s4 =	sadd.s32 $0x4000, s0;
	s5 =	sadd.s32 $0x6000, s0  }
0x7: {  	s8 =	sadd.s32 $0xC000, s0;
	s9 =	sor.u32 s17, s9;
	s2 =	ssub.s32 s2, s3  }
0x8: {  	s3 =	sadd.s32 s10, s15;
	s7 =	sshrl.u32 s4, $0x3;
	s18 =	sshrl.u32 s5, $0x3  }
0x9: {  	s20 =	sshrl.u32 s8, $0x3;
	s24 =	sadd.s32 s11, s0;
	s9 =	smul.u32 $0x9E0, s9  }
0xa: {  	s28 =	sadd.s32 s11, s4;
	s29 =	sadd.s32 s11, s5;
	[dreg:$0x3] =	wrdreg s3  }
0xb: {  	s3 =	sor.u32 $0x2000, s0;
	s16 =	sadd.s32 s10, s7;
	s7 =	sadd.s32 $0xA000, s0  }
0xc: {  	s6 =	sshrl.u32 s3, $0x3;
	[dreg:$0x5] =	wrdreg s16;
	s13 =	sshrl.u32 s7, $0x3  }
0xd: {  	s16 =	sadd.s32 $0x12000, s0;
	s25 =	sadd.s32 s11, s3;
	s9 =	sadd.s32 s9, s1  }
0xe: {  	s6 =	sadd.s32 s10, s6;
	s19 =	sadd.s32 s10, s13;
	s13 =	sadd.s32 $0x10000, s0  }
0xf: {  	s22 =	sshrl.u32 s16, $0x3;
	[dreg:$0x4] =	wrdreg s6;
	s6 =	sadd.s32 s10, s18  }
0x10: {  	s15 =	sshrl.u32 s13, $0x3;
	[dreg:$0x6] =	wrdreg s6;
	s6 =	sadd.s32 $0x8000, s0  }
0x11: {  	[dreg:$0x8] =	wrdreg s19;
	s21 =	sadd.s32 s10, s15;
	s12 =	sshrl.u32 s6, $0x3  }
0x12: {  	s26 =	sshrl.u32 s25, $0x3;
	[dreg:$0xb] =	wrdreg s21;
	s12 =	sadd.s32 s10, s12  }
0x13: {  	s19 =	sadd.s32 s11, s7;
	[dreg:$0x7] =	wrdreg s12;
	s12 =	sadd.s32 s10, s20  }
0x14: {  	s15 =	sshrl.u32 s29, $0x3;
	[dreg:$0x9] =	wrdreg s12;
	s12 =	sadd.s32 $0xE000, s0  }
0x15: {  	s30 =	sadd.s32 s11, s6;
	s14 =	sshrl.u32 s12, $0x3;
	s21 =	sadd.s32 s11, s12  }
0x16: {  	s14 =	sadd.s32 s10, s14;
	s23 =	sshrl.u32 s21, $0x3;
	s21 =	rddreg [dreg:$0x1]  }
0x17: {  	s18 =	sshrl.u32 s30, $0x3;
	s10 =	sadd.s32 s10, s22;
	[dreg:$0xa] =	wrdreg s14  }
0x18: {  	s20 =	sadd.s32 s11, s8;
	[dreg:$0xc] =	wrdreg s10;
	s10 =	sshrl.u32 s24, $0x3  }
0x19: {  	s14 =	sadd.s32 $0x7F600, s1;
	s24 =	sadd.s32 s11, s13;
	s11 =	sadd.s32 s11, s16  }
0x1a: {  	s0 =	sadd.s32 s0, s21;
	s29 =	sadd.s32 s3, s21;
	s30 =	sadd.s32 s4, s21  }
0x1b: {  	s31 =	sadd.s32 s5, s21;
	s3 =	sadd.s32 s16, s21;
	s10 =	sadd.s32 s14, s10  }
0x1c: {  	s4 =	simm.s32 $0x8;
	[dreg:$0xd] =	wrdreg s10;
	s10 =	sadd.s32 s14, s26  }
0x1d: {  	s15 =	sadd.s32 s14, s15;
	[dreg:$0xe] =	wrdreg s10;
	s10 =	sshrl.u32 s28, $0x3  }
0x1e: {  	s5 =	simm.s32 $0x7;
	[dreg:$0x10] =	wrdreg s15;
	s10 =	sadd.s32 s14, s10  }
0x1f: {  	s11 =	sshrl.u32 s11, $0x3;
	[dreg:$0xf] =	wrdreg s10;
	s10 =	sadd.s32 s14, s18  }
0x20: {  	s25 =	sadd.s32 s14, s11;
	[dreg:$0x11] =	wrdreg s10;
	s10 =	sshrl.u32 s19, $0x3  }
0x21: {  	s15 =	sshrl.u32 s20, $0x3;
	[dreg:$0x16] =	wrdreg s25;
	s10 =	sadd.s32 s14, s10  }
0x22: {  	s26 =	sadd.s32 $0x1C800, s9;
	[dreg:$0x12] =	wrdreg s10;
	s10 =	sadd.s32 s14, s23  }
0x23: {  	s22 =	sadd.s32 s14, s15;
	[dreg:$0x14] =	wrdreg s10;
	s10 =	sshrl.u32 s24, $0x3  }
0x24: {  	s20 =	sadd.s32 s6, s21;
	[dreg:$0x13] =	wrdreg s22;
	s10 =	sadd.s32 s14, s10  }
0x25: {  	s11 =	sadd.s32 s8, s21;
	s28 =	smax.u32 s2, $0x1;
	[dreg:$0x15] =	wrdreg s10  }
.Ltmp0:
0x26: {  	_ =	strace $0x8000004D;
	[dreg:$0x17] =	wrdreg s26;
	(pc) =	sbr.rel .LBB2_1-.Ltmp0, $4  }
0x27: {  	s6 =	simm.s32 $0x40;
	s8 =	simm.s32 $0x5;
	[dreg:$0x18] =	wrdreg s28  }
0x28: {  	s9 =	simm.s32 $0x0;
	s2 =	sadd.s32 s13, s21;
	[dreg:$0x19] =	wrdreg s0  }
0x29: {  	s24 =	sadd.s32 $0x30400, s1;
	s1 =	sadd.s32 s12, s21;
	[dreg:$0x1a] =	wrdreg s29  }
0x2a: {  	[dreg:$0x1b] =	wrdreg s30;
	s0 =	sadd.s32 s7, s21;
	s7 =	simm.s32 $0x4  }
.LBB2_7:
0x2b: {  	_ =	swait.ge [sflag:s7], $0x2000  }
0x2c: {  	[sflag:s7] =	ssyncset.done $0x0  }
0x2d: {  	[sflag:s7] =	ssyncadd.s32 $0xFFFFE000  }
0x2e: {  	_ =	swait.ge [sflag:s8], $0x2000  }
0x2f: {  	[sflag:s8] =	ssyncset.done $0x0  }
0x30: {  	[sflag:s8] =	ssyncadd.s32 $0xFFFFE000  }
0x31: {  	[bflag:$0x0] =	sbarrier.arrive $0xFFFF  }
0x32: {  	s14 =	rddreg [dreg:$0xd]  }
0x33: {  	[hbm:s14], [sflag:s10] =	dma.local [spmem:s12], $0x400  }
0x34: {  	s12 =	rddreg [dreg:$0xe]  }
0x35: {  	[hbm:s12], [sflag:s10] =	dma.local [spmem:s13], $0x400  }
0x36: {  	s12 =	rddreg [dreg:$0xf]  }
0x37: {  	[hbm:s12], [sflag:s10] =	dma.local [spmem:s15], $0x400  }
0x38: {  	s12 =	rddreg [dreg:$0x10]  }
0x39: {  	[hbm:s12], [sflag:s10] =	dma.local [spmem:s16], $0x400  }
0x3a: {  	s12 =	rddreg [dreg:$0x11]  }
0x3b: {  	[hbm:s12], [sflag:s10] =	dma.local [spmem:s17], $0x400  }
0x3c: {  	s12 =	rddreg [dreg:$0x12]  }
0x3d: {  	[hbm:s12], [sflag:s10] =	dma.local [spmem:s18], $0x400  }
0x3e: {  	s12 =	rddreg [dreg:$0x13]  }
0x3f: {  	[hbm:s12], [sflag:s10] =	dma.local [spmem:s19], $0x400  }
0x40: {  	s12 =	rddreg [dreg:$0x14]  }
0x41: {  	[hbm:s12], [sflag:s10] =	dma.local [spmem:s22], $0x400  }
0x42: {  	s12 =	rddreg [dreg:$0x15]  }
0x43: {  	[hbm:s12], [sflag:s10] =	dma.local [spmem:s23], $0x400  }
0x44: {  	s12 =	rddreg [dreg:$0x16]  }
0x45: {  	[hbm:s12], [sflag:s10] =	dma.local [spmem:s25], $0x400  }
0x46: {  	_ =	swait.ge [sflag:s5], $0x400  }
0x47: {  	[sflag:s5] =	ssyncset.done $0x0  }
0x48: {  	[sflag:s5] =	ssyncadd.s32 $0xFFFFFC00  }
0x49: {  	_ =	swait.ge [sflag:s5], $0x400  }
0x4a: {  	[sflag:s5] =	ssyncset.done $0x0  }
0x4b: {  	[sflag:s5] =	ssyncadd.s32 $0xFFFFFC00  }
0x4c: {  	_ =	swait.ge [sflag:s5], $0x400  }
0x4d: {  	[sflag:s5] =	ssyncset.done $0x0  }
0x4e: {  	[sflag:s5] =	ssyncadd.s32 $0xFFFFFC00  }
0x4f: {  	_ =	swait.ge [sflag:s5], $0x400  }
0x50: {  	[sflag:s5] =	ssyncset.done $0x0  }
0x51: {  	[sflag:s5] =	ssyncadd.s32 $0xFFFFFC00  }
0x52: {  	_ =	swait.ge [sflag:s5], $0x400  }
0x53: {  	[sflag:s5] =	ssyncset.done $0x0  }
0x54: {  	[sflag:s5] =	ssyncadd.s32 $0xFFFFFC00  }
0x55: {  	_ =	swait.ge [sflag:s5], $0x400  }
0x56: {  	[sflag:s5] =	ssyncset.done $0x0  }
0x57: {  	[sflag:s5] =	ssyncadd.s32 $0xFFFFFC00  }
0x58: {  	_ =	swait.ge [sflag:s5], $0x400  }
0x59: {  	[sflag:s5] =	ssyncset.done $0x0  }
0x5a: {  	[sflag:s5] =	ssyncadd.s32 $0xFFFFFC00  }
0x5b: {  	_ =	swait.ge [sflag:s5], $0x400  }
0x5c: {  	[sflag:s5] =	ssyncset.done $0x0  }
0x5d: {  	[sflag:s5] =	ssyncadd.s32 $0xFFFFFC00  }
0x5e: {  	_ =	swait.ge [sflag:s5], $0x400  }
0x5f: {  	[sflag:s5] =	ssyncset.done $0x0  }
0x60: {  	[sflag:s5] =	ssyncadd.s32 $0xFFFFFC00  }
0x61: {  	_ =	swait.ge [sflag:s5], $0x400  }
0x62: {  	s9 =	sadd.s32 $0x1, s9;
	s30 =	rddreg [dreg:$0x18]  }
0x63: {  	p0 =	sne.s32 s9, s30  }
.Ltmp1:
0x64: {  	_ = 	snop;
	(pc) =	sbr.rel @!p0 .LBB2_8-.Ltmp1, $3  }
0x65: {  	_ =	sdelay $0x1  }
0x66: {  	[sflag:s5] =	ssyncset.done $0x0  }
0x67: {  	[sflag:s5] =	ssyncadd.s32 $0xFFFFFC00  }
.LBB2_1:
0x68: {  	s14 =	simm.s32 $0x14000  }
0x69: {  	s10 =	simm.s32 $0x0;
	s12 =	rddreg [dreg:$0x17];
	s29 =	stileid.u32  }
0x6a: {  	[tilespmem:s14], [sflag:$0x8] =	stream.linear.gather [hbm4b:s12+s10], $0x4F00, $0x38;
	[tilespmem:$0x1EF00] =	vst v63  }
0x6b: {  	s10 =	sshll.u32 s29, $0x6;
	_ =	swait.ge [sflag:s4], $0x4F00  }
0x6c: {  	s10 =	sor.u32 $0x1C07, s10;
	[sflag:s4] =	ssyncset.done $0x0;
	s30 =	rddreg [dreg:$0x19]  }
0x6d: {  	s13 =	rddreg [dreg:$0x3];
	[sflag:s4] =	ssyncadd.s32 $0xFFFFB100;
	s12 =	sshrl.u32 s30, $0x3  }
0x6e: {  	[spmem:s12], [sflag:s10] =	dma.local [hbm:s13], $0x400  }
0x6f: {  	s13 =	rddreg [dreg:$0x1a]  }
0x70: {  	s15 =	rddreg [dreg:$0x4];
	s13 =	sshrl.u32 s13, $0x3  }
0x71: {  	[spmem:s13], [sflag:s10] =	dma.local [hbm:s15], $0x400  }
0x72: {  	s15 =	rddreg [dreg:$0x1b]  }
0x73: {  	s16 =	rddreg [dreg:$0x5];
	s15 =	sshrl.u32 s15, $0x3  }
0x74: {  	[spmem:s15], [sflag:s10] =	dma.local [hbm:s16], $0x400  }
0x75: {  	s16 =	sshrl.u32 s31, $0x3;
	s17 =	rddreg [dreg:$0x6]  }
0x76: {  	[spmem:s16], [sflag:s10] =	dma.local [hbm:s17], $0x400  }
0x77: {  	s17 =	sshrl.u32 s20, $0x3;
	s18 =	rddreg [dreg:$0x7]  }
0x78: {  	[spmem:s17], [sflag:s10] =	dma.local [hbm:s18], $0x400  }
0x79: {  	s18 =	sshrl.u32 s0, $0x3;
	s19 =	rddreg [dreg:$0x8]  }
0x7a: {  	[spmem:s18], [sflag:s10] =	dma.local [hbm:s19], $0x400  }
0x7b: {  	s19 =	sshrl.u32 s11, $0x3;
	s22 =	rddreg [dreg:$0x9]  }
0x7c: {  	[spmem:s19], [sflag:s10] =	dma.local [hbm:s22], $0x400  }
0x7d: {  	s22 =	sshrl.u32 s1, $0x3;
	s23 =	rddreg [dreg:$0xa]  }
0x7e: {  	[spmem:s22], [sflag:s10] =	dma.local [hbm:s23], $0x400  }
0x7f: {  	s23 =	sshrl.u32 s2, $0x3;
	s25 =	rddreg [dreg:$0xb]  }
0x80: {  	[spmem:s23], [sflag:s10] =	dma.local [hbm:s25], $0x400  }
0x81: {  	s25 =	sshrl.u32 s3, $0x3;
	s26 =	rddreg [dreg:$0xc]  }
0x82: {  	[spmem:s25], [sflag:s10] =	dma.local [hbm:s26], $0x400  }
0x83: {  	_ =	swait.ge [sflag:s5], $0x400  }
0x84: {  	[sflag:s5] =	ssyncset.done $0x0  }
0x85: {  	[sflag:s5] =	ssyncadd.s32 $0xFFFFFC00  }
0x86: {  	_ =	swait.ge [sflag:s5], $0x400  }
0x87: {  	[sflag:s5] =	ssyncset.done $0x0  }
0x88: {  	[sflag:s5] =	ssyncadd.s32 $0xFFFFFC00  }
0x89: {  	_ =	swait.ge [sflag:s5], $0x400  }
0x8a: {  	[sflag:s5] =	ssyncset.done $0x0  }
0x8b: {  	[sflag:s5] =	ssyncadd.s32 $0xFFFFFC00  }
0x8c: {  	_ =	swait.ge [sflag:s5], $0x400  }
0x8d: {  	[sflag:s5] =	ssyncset.done $0x0  }
0x8e: {  	[sflag:s5] =	ssyncadd.s32 $0xFFFFFC00  }
0x8f: {  	_ =	swait.ge [sflag:s5], $0x400  }
0x90: {  	[sflag:s5] =	ssyncset.done $0x0  }
0x91: {  	[sflag:s5] =	ssyncadd.s32 $0xFFFFFC00  }
0x92: {  	_ =	swait.ge [sflag:s5], $0x400  }
0x93: {  	[sflag:s5] =	ssyncset.done $0x0  }
0x94: {  	[sflag:s5] =	ssyncadd.s32 $0xFFFFFC00  }
0x95: {  	_ =	swait.ge [sflag:s5], $0x400  }
0x96: {  	[sflag:s5] =	ssyncset.done $0x0  }
0x97: {  	[sflag:s5] =	ssyncadd.s32 $0xFFFFFC00  }
0x98: {  	_ =	swait.ge [sflag:s5], $0x400  }
0x99: {  	[sflag:s5] =	ssyncset.done $0x0  }
0x9a: {  	[sflag:s5] =	ssyncadd.s32 $0xFFFFFC00  }
0x9b: {  	_ =	swait.ge [sflag:s5], $0x400  }
0x9c: {  	[sflag:s5] =	ssyncset.done $0x0  }
0x9d: {  	[sflag:s5] =	ssyncadd.s32 $0xFFFFFC00  }
.Ltmp2:
0x9e: {  	_ =	swait.ge [sflag:s5], $0x400;
	(pc) =	sbr.rel .LBB2_2-.Ltmp2, $4  }
0x9f: {  	[sflag:s5] =	ssyncset.done $0x0  }
0xa0: {  	[sflag:s5] =	ssyncadd.s32 $0xFFFFFC00  }
0xa1: {  	[bflag:$0x0] =	sbarrier.arrive $0xFFFF  }
0xa2: {  	s26 =	simm.s32 $0x0  }
.LBB2_3:
0xa3: {  	s29 =	sadd.s32 $0x4, s28  }
0xa4: {  	_ =	swait.ge [sflag:s29], $0x2000  }
0xa5: {  	p0 =	seq.s32 s26, $0x9E;
	[sflag:s29] =	ssyncset.done $0x0  }
0xa6: {  	[sflag:s29] =	ssyncadd.s32 $0xFFFFE000;
	s29 =	sshll.u32 @!p0 s28, $0xD  }
0xa7: {  	s30 =	simm.s32 @!p0 $0x40;
	s28 =	sadd.s32 @!p0 $0x1, s28;
	s29 =	sadd.s32 @!p0 $0x18F00, s29  }
0xa8: {  	[tilespmem:s29], [sflag:s28] =	stream.indirect.gather @!p0 [hbm4b:s24+s30], $0x80, s14, s30, $0xb8;
	[tilespmem:$0x1EF00] =	vst v63  }
.LBB2_5:
0xa9: {  	s28 =	sadd.s32 $0xFFFFFFFF, s26  }
0xaa: {  	s29 =	sand.u32 $0xFF, s28  }
0xab: {  	s29 =	smul.u32 $0xAB, s29;
	_ =	sdelay $0x1  }
0xac: {  	s29 =	sshrl.u32 s29, $0x9  }
0xad: {  	s29 =	smul.u32 $0x3, s29;
	_ =	sdelay $0x1  }
0xae: {  	s28 =	ssub.s32 s28, s29  }
0xaf: {  	s28 =	sand.u32 $0xFF, s28  }
0xb0: {  	s29 =	sadd.s32 $0x1, s28  }
0xb1: {  	_ =	swait.ge [sflag:s29], $0x2000  }
0xb2: {  	s30 =	sshll.u32 s28, $0xD;
	s28 =	sor.u32 $0x4, s28;
	[sflag:s29] =	ssyncset.done $0x0  }
0xb3: {  	s30 =	sor.u32 $0x18F00, s30;
	[sflag:s29] =	ssyncadd.s32 $0xFFFFE000;
	s29 =	sadd.s32 $0xFFFFFFC0, s14  }
0xb4: {  	[spmem:s21] =	stream.indirect.scatter.add.f32 [tilespmem:s30], [sflag:s28], $0x80, s29, s6, $0xb8;
	[tilespmem:$0x1EF00] =	vst v63  }
.LBB2_6:
0xb5: {  	s26 =	sadd.s32 $0x1, s26  }
0xb6: {  	p0 =	sne.s32 s26, $0x9F  }
.Ltmp3:
0xb7: {  	_ = 	snop;
	(pc) =	sbr.rel @!p0 .LBB2_7-.Ltmp3, $2  }
0xb8: {  	_ =	sdelay $0x2  }
0xb9: {  	s14 =	sadd.s32 $0x80, s14  }
.LBB2_2:
0xba: {  	s28 =	smul.u32 $0xAB, s26;
	_ =	sdelay $0x1  }
0xbb: {  	p0 =	slt.u32 s26, $0x3;
	s28 =	sshrl.u32 s28, $0x9  }
.Ltmp4:
0xbc: {  	s28 =	sand.u32 $0x7F, s28;
	(pc) =	sbr.rel @!p0 .LBB2_3-.Ltmp4, $3  }
0xbd: {  	s28 =	smul.u32 $0x3, s28;
	_ =	sdelay $0x1  }
0xbe: {  	s28 =	ssub.s32 s26, s28  }
0xbf: {  	s28 =	sand.u32 $0xFF, s28  }
0xc0: {  	p0 =	seq.s32 s26, $0x0  }
.Ltmp5:
0xc1: {  	_ = 	snop;
	(pc) =	sbr.rel @!p0 .LBB2_5-.Ltmp5, $4  }
.Ltmp6:
0xc2: {  	_ = 	snop;
	(pc) =	sbr.rel @p0 .LBB2_6-.Ltmp6, $4  }
0xc3: {  	s29 =	sshll.u32 s28, $0xD  }
0xc4: {  	s30 =	sadd.s32 $0x1, s28;
	s29 =	sadd.s32 $0x18F00, s29  }
0xc5: {  	[tilespmem:s29], [sflag:s30] =	stream.indirect.gather [hbm4b:s24+s6], $0x80, s14, s6, $0xb8;
	[tilespmem:$0x1EF00] =	vst v63  }
0xc6: {  	_ = 	snop  }
.LBB2_8:
0xc7: {  	_ =	sfence.sel $0x180000  }
0xc8: {  	[bflag:$0x0] =	sbarrier.arrive $0xFFFF  }
0xc9: {  	_ =	strace $0x9000004D  }
0xca: {  	s0 =	stileid.u32;
	[bflag:$0x2] =	sbarrier.arrive $0xFFFF  }
0xcb: {  	p0 =	sne.s32 s0, $0x0;
	s0 =	rddreg [dreg:$0x2]  }
0xcc: {  	s0 =	sadd.s32 @!p0 $0x100000, s0  }
0xcd: {  	[sflag:s0] =	ssyncadd.tile.s32 @!p0 $0x1;
	_ =	shalt  }
.Lfunc_end2:
_tile_overlayer_lowered:
.L_overlay_start_2:
0xce: {  	(tag) =	ssettag $0x2  }
0xcf: {  	s0 =	rddreg [dreg:$0x0];
	s2 =	stileid.u32  }
0xd0: {  	s1 =	rddreg [dreg:$0x1];
	p0 =	sne.s32 s2, $0x0  }
0xd1: {  	s3 =	rddreg [dreg:$0x2];
	[bflag:$0x3] =	sbarrier.arrive $0xFFFF;
	s2 =	simm.s32 @!p0 $0x1C08  }
0xd2: {  	[timem:s3], [sflag:s2] =	dma.local @!p0 [hbm:s0], s1  }
0xd3: {  	s0 =	simm.s32 @!p0 $0x8  }
0xd4: {  	_ =	swait.ge @!p0 [sflag:s0], s1  }
0xd5: {  	s1 =	ssub.s32 @!p0 $0x0, s1;
	[sflag:s0] =	ssyncset.done @!p0 $0x0  }
0xd6: {  	[sflag:s0] =	ssyncadd.s32 @!p0 s1  }
0xd7: {  	[bflag:$0x3] =	sbarrier.arrive $0xFFFF  }
0xd8: {  	_ =	shalt  }

// kernel: kernel.8.cloned.1.call-start
scs
__scs_entry_jumppad:
0x0: {  	(pc) =	sbr.rel $0x88, $3  }
0x1: {  	(tag) =	ssettag $0x0;
	lr =	simm.s32 $0x1  }
0x2: {  	[smem:$0x3F99] =	sst lr;
	_ =	strace $0xD0000000  }
0x3: {  	_ = 	snop  }
0x4: {  	_ = 	snop  }
0x5: {  	_ = 	snop  }
0x6: {  	_ = 	snop  }
0x7: {  	_ = 	snop  }
__scs_overlays_trampoline_lowered:
0x8: {  	[smem:$0x3FA8] =	sst s0  }
0x9: {  	[smem:$0x3FA9] =	sst s1  }
0xa: {  	[smem:$0x3FAA] =	sst s2  }
0xb: {  	[smem:$0x3FAB] =	sst s3  }
0xc: {  	[smem:$0x3FAC] =	sst s4  }
0xd: {  	[smem:$0x3FAD] =	sst s5  }
0xe: {  	[smem:$0x3FAE] =	sst s6  }
0xf: {  	[smem:$0x3FAF] =	sst s7  }
0x10: {  	[smem:$0x3FB0] =	sst s8  }
0x11: {  	[smem:$0x3FB1] =	sst s9;
	s0 =	simm.s32 @!p0 $0x0  }
0x12: {  	s1 =	sld [smem:$0x3F97];
	s0 =	simm.s32 @p0 $0x1  }
0x13: {  	[smem:$0x3FB2] =	sst s0;
	s0 =	simm.s32 @!p1 $0x0  }
0x14: {  	s2 =	sld [smem:$0x3F96];
	s0 =	simm.s32 @p1 $0x1  }
0x15: {  	[smem:$0x3FB3] =	sst s0;
	s0 =	simm.s32 @!p2 $0x0  }
0x16: {  	s3 =	sld [smem:$0x3FDB];
	s0 =	simm.s32 @p2 $0x1  }
0x17: {  	s4 =	simm.s32 $0x1BF5;
	[smem:$0x3FB5] =	sst s0  }
0x18: {  	s0 =	sld [smem:$0x3F98];
	_ =	swait.ge [sflag:s4], $0x0  }
0x19: {  	s7 =	sld [smem:$0x3F99]  }
0x1a: {  	s8 =	sadd.s32 $0xFFFFE003, lr  }
0x1b: {  	s9 =	sadd.s32 $0xFFFFFEF7, lr;
	s5 =	simm.s32 $0xFFFFFFFF;
	p2 =	slt.u32 s8, $0xFFFFF086  }
0x1c: {  	p1 =	slt.u32 s9, $0xF7A;
	s5 =	simm.s32 @!p2 $0x0  }
0x1d: {  	s5 =	simm.s32 @p1 $0x1;
	p0 =	seq.s32 s7, s2  }
0x1e: {  	s7 =	smul.u32 @!p0 $0xF7A, s2;
	p2 =	seq.s32 @!p0 s5, $0x0  }
0x1f: {  	s9 =	smul.u32 $0xF7A, s1;
	s8 =	simm.s32 @!p0 $0x1BF5;
	p2 =	por !p2, p0  }
0x20: {  	[sflag:s8] =	ssyncset.s32 @!p0 $0xFFFFF086;
	s6 =	sadd.s32 @!p0 s3, s7;
	s7 =	simm.s32 @!p0 $0x108  }
0x21: {  	s3 =	sadd.s32 s3, s9;
	s6 =	sadd.s32 @!p0 $0x88, s6;
	s7 =	simm.s32 @p2 $0x1082  }
0x22: {  	[simem:s7], [sflag:s8] =	dma.local @!p0 [hbm:s6], $0xF7A  }
0x23: {  	s9 =	sor.u32 $0xD0000000, s2;
	s6 =	simm.s32 $0x108;
	_ =	swait.ge @!p0 [sflag:s8], $0x0  }
0x24: {  	s3 =	sadd.s32 $0x88, s3;
	s6 =	simm.s32 @!p1 $0x1082;
	[sflag:s4] =	ssyncset.s32 $0xFFFFF086  }
0x25: {  	[simem:s6], [sflag:s4] =	dma.local [hbm:s3], $0xF7A  }
0x26: {  	[smem:$0x3F99] =	sst s1;
	(tag) =	ssettag s2;
	_ =	strace s9  }
0x27: {  	s1 =	sld [smem:$0x3FA9]  }
0x28: {  	s2 =	sld [smem:$0x3FAA]  }
0x29: {  	s4 =	sld [smem:$0x3FAC]  }
0x2a: {  	p0 =	seq.s32 s5, $0x0;
	s5 =	sld [smem:$0x3FAD]  }
0x2b: {  	s6 =	sld [smem:$0x3FAE]  }
0x2c: {  	s7 =	sld [smem:$0x3FAF]  }
0x2d: {  	s3 =	simm.s32 $0x108;
	s8 =	sld [smem:$0x3FB0]  }
0x2e: {  	s3 =	simm.s32 @!p0 $0x1082;
	s9 =	sld [smem:$0x3FB1]  }
0x2f: {  	lr =	sadd.s32 s0, s3;
	s0 =	sld [smem:$0x3FA8]  }
0x30: {  	s3 =	sld [smem:$0x3FAB]  }
0x31: {  	[smem:$0x3FB4] =	sst s10  }
0x32: {  	s10 =	sld [smem:$0x3FB2];
	_ =	sdelay $0x3  }
0x33: {  	p0 =	seq.s32 s10, $0x1;
	s10 =	sld [smem:$0x3FB4];
	_ =	sdelay $0x3  }
0x34: {  	[smem:$0x3FB4] =	sst s10  }
0x35: {  	s10 =	sld [smem:$0x3FB3];
	_ =	sdelay $0x3  }
0x36: {  	p1 =	seq.s32 s10, $0x1;
	s10 =	sld [smem:$0x3FB4];
	_ =	sdelay $0x3  }
0x37: {  	[smem:$0x3FB4] =	sst s10  }
0x38: {  	s10 =	sld [smem:$0x3FB5]  }
0x39: {  	_ = 	snop;
	(pc) =	sbr.ind lr, $3  }
0x3a: {  	_ = 	snop  }
0x3b: {  	_ = 	snop  }
0x3c: {  	p2 =	seq.s32 s10, $0x1;
	s10 =	sld [smem:$0x3FB4]  }
0x3d: {  	_ =	shalt  }
0x3e: {  	_ =	shalt  }
0x3f: {  	_ =	shalt  }
0x40: {  	_ =	shalt  }
0x41: {  	_ =	shalt  }
0x42: {  	_ =	shalt  }
0x43: {  	_ =	shalt  }
0x44: {  	_ =	shalt  }
0x45: {  	_ =	shalt  }
0x46: {  	_ =	shalt  }
0x47: {  	_ =	shalt  }
0x48: {  	_ =	shalt  }
0x49: {  	_ =	shalt  }
0x4a: {  	_ =	shalt  }
0x4b: {  	_ =	shalt  }
0x4c: {  	_ =	shalt  }
0x4d: {  	_ =	shalt  }
0x4e: {  	_ =	shalt  }
0x4f: {  	_ =	shalt  }
0x50: {  	_ =	shalt  }
0x51: {  	_ =	shalt  }
0x52: {  	_ =	shalt  }
0x53: {  	_ =	shalt  }
0x54: {  	_ =	shalt  }
0x55: {  	_ =	shalt  }
0x56: {  	_ =	shalt  }
0x57: {  	_ =	shalt  }
0x58: {  	_ =	shalt  }
0x59: {  	_ =	shalt  }
0x5a: {  	_ =	shalt  }
0x5b: {  	_ =	shalt  }
0x5c: {  	_ =	shalt  }
0x5d: {  	_ =	shalt  }
0x5e: {  	_ =	shalt  }
0x5f: {  	_ =	shalt  }
0x60: {  	_ =	shalt  }
0x61: {  	_ =	shalt  }
0x62: {  	_ =	shalt  }
0x63: {  	_ =	shalt  }
0x64: {  	_ =	shalt  }
0x65: {  	_ =	shalt  }
0x66: {  	_ =	shalt  }
0x67: {  	_ =	shalt  }
0x68: {  	_ =	shalt  }
0x69: {  	_ =	shalt  }
0x6a: {  	_ =	shalt  }
0x6b: {  	_ =	shalt  }
0x6c: {  	_ =	shalt  }
0x6d: {  	_ =	shalt  }
0x6e: {  	_ =	shalt  }
0x6f: {  	_ =	shalt  }
0x70: {  	_ =	shalt  }
0x71: {  	_ =	shalt  }
0x72: {  	_ =	shalt  }
0x73: {  	_ =	shalt  }
0x74: {  	_ =	shalt  }
0x75: {  	_ =	shalt  }
0x76: {  	_ =	shalt  }
0x77: {  	_ =	shalt  }
0x78: {  	_ =	shalt  }
0x79: {  	_ =	shalt  }
0x7a: {  	_ =	shalt  }
0x7b: {  	_ =	shalt  }
0x7c: {  	_ =	shalt  }
0x7d: {  	_ =	shalt  }
0x7e: {  	_ =	shalt  }
0x7f: {  	_ =	shalt  }
0x80: {  	_ =	shalt  }
0x81: {  	_ =	shalt  }
0x82: {  	_ =	shalt  }
0x83: {  	_ =	shalt  }
0x84: {  	_ =	shalt  }
0x85: {  	_ =	shalt  }
0x86: {  	_ =	shalt  }
0x87: {  	_ =	shalt  }
.Lfunc_end0:
.L_simem_size_0:
called_computation_lowered:
.L_overlay_start_0:
0x88: {  	s2 =	sld [smem:$0x3FD9]  }
0x89: {  	s3 =	sld [smem:$0x3FFE];
	_ =	sdelay $0x1  }
0x8a: {  	s1 =	srdreg.scid  }
0x8b: {  	s0 =	sand.u32 $0x1, s1  }
0x8c: {  	s16 =	sshll.u32 s0, $0xA;
	s2 =	sadd.s32 s3, s2  }
0x8d: {  	s2 =	sadd.s32 s2, s16  }
0x8e: {  	[smem:$0x3FC0] =	sst s2  }
0x8f: {  	_ = 	snop  }
0x90: {  	(tm) =	ssettm $0x1  }
0x91: {  	s17 =	sld [smem:$0x3FFB];
	_ =	sdelay $0x3  }
0x92: {  	_ =	strace s17  }
0x93: {  	s2 =	sld [smem:$0x3FFC];
	_ =	sdelay $0x3  }
0x94: {  	_ =	strace s2  }
0x95: {  	s2 =	sld [smem:$0x3FFD];
	_ =	sdelay $0x3  }
0x96: {  	_ =	strace s2  }
0x97: {  	_ =	strace $0x8FFFFFFF  }
0x98: {  	s18 =	sld [smem:$0x3FDB];
	_ =	sdelay $0x1  }
0x99: {  	s19 =	simm.s32 $_scs_section_size  }
0x9a: {  	s4 =	simm.s32 $_size__tile_overlayer_lowered;
	s5 =	simm.s32 $_tile_overlayer_lowered  }
0x9b: {  	s22 =	simm.s32 $0x1BFF;
	s21 =	sshll.u32 s5, $0x1;
	s2 =	sadd.s32 s19, s18  }
0x9c: {  	s6 =	simm.s32 $0x0;
	s20 =	sshll.u32 s4, $0x1;
	s4 =	sadd.s32 s21, s2  }
0x9d: {  	[timem:s6], [sflag:s22] =	dma.local [hbm:s4], s20  }
0x9e: {  	_ =	swait.ge [sflag:s22], s20  }
0x9f: {  	s3 =	ssub.s32 $0x0, s20;
	[sflag:s22] =	ssyncset.done $0x0  }
0xa0: {  	[sflag:s22] =	ssyncadd.s32 s3;
	_ =	sdelay $0x1  }
0xa1: {  	s23 =	simm.s32 $0x1B8B  }
0xa2: {  	_ =	swait.ge [sflag:s23], $0x1  }
0xa3: {  	[sflag:s23] =	ssyncset.done $0x0  }
0xa4: {  	s25 =	simm.s32 $0x1B8E;
	s24 =	sld [smem:$0x3FFE];
	[sflag:s23] =	ssyncadd.s32 $0xFFFFFFFF  }
0xa5: {  	s26 =	simm.s32 $execute0_lowered;
	[smem:$0x3FD2] =	sst s25  }
0xa6: {  	s4 =	sshll.u32 s26, $0x1;
	_ =	strace $0x80000046;
	[dreg:$0x1] =	wrdreg $0xFFFFFFFF  }
0xa7: {  	s28 =	simm.s32 $_size_execute0_lowered;
	s2 =	sadd.s32 s2, s4;
	[dreg:$0x0] =	wrdreg $0x0  }
0xa8: {  	s4 =	sshll.u32 s28, $0x1;
	[dreg:$0x2] =	wrdreg s2  }
0xa9: {  	[dreg:$0x3] =	wrdreg s4  }
0xaa: {  	[dreg:$0x4] =	wrdreg $0xC0  }
0xab: {  	_ =	task [dreg:s6], $0x5FFFF  }
0xac: {  	[dreg:$0x1] =	wrdreg $0xFFFFFFFF  }
0xad: {  	[dreg:$0x0] =	wrdreg $0x60  }
0xae: {  	[dreg:$0x2] =	wrdreg s24  }
0xaf: {  	[dreg:$0x3] =	wrdreg $0x2F800  }
0xb0: {  	[dreg:$0x4] =	wrdreg $0x9  }
0xb1: {  	_ =	task.clear_ibuf [dreg:s6], $0x5FFFF;
	_ =	strace $0x90000046  }
0xb2: {  	s29 =	simm.s32 $0x9;
	_ =	strace $0x80000048  }
0xb3: {  	_ =	swait.ge [sflag:s29], $0x1  }
0xb4: {  	[sflag:s29] =	ssyncadd.s32 $0xFFFFFFFF  }
0xb5: {  	_ =	strace $0x90000048  }
0xb6: {  	_ =	sfence  }
0xb7: {  	s30 =	sld [smem:$0x0];
	_ =	sdelay $0x2  }
0xb8: {  	s31 =	sshll.u32 s1, $0xD;
	s1 =	sshrl.u32 s1, $0x2  }
0xb9: {  	s3 =	sand.u32 $0x4000, s31;
	s1 =	sadd.s32 s1, s30  }
0xba: {  	s0 =	sor.u32 s3, s0;
	s1 =	sshll.u32 s1, $0x11  }
0xbb: {  	s0 =	sor.u32 s1, s0  }
0xbc: {  	s0 =	sadd.s32 $0x8F2B, s0  }
0xbd: {  	[sflag:s0] =	ssyncadd.remote.s32 $0x1  }
0xbe: {  	_ =	sfence.sel $0xFFFF  }
0xbf: {  	[dreg:$0x0] =	wrdreg $0xFFFFFFFF;
	(pc) =	sbr.abs _section_cstart, $3  }
0xc0: {  	[dreg:$0x1] =	wrdreg $0xFFFFFFFF  }
0xc1: {  	_ =	task.clear_ibuf [dreg:s6], $0x2FFFF;
	_ =	strace $0x9FFFFFFF  }
0xc2: {  	(tm) =	ssettm $0x7FFFFFFF  }
0xc3: {  	_ =	shalt  }
tec
execute0_lowered:
.L_overlay_start_1:
0x0: {  	(tag) =	ssettag $0x1  }
0x1: {  	s0 =	srdreg.scid;
	s6 =	rddreg [dreg:$0x0]  }
0x2: {  	s2 =	rddreg [dreg:$0x1];
	s3 =	simm.s32 $0x0;
	s13 =	simm.s32 $0x80  }
0x3: {  	s14 =	simm.s32 $0x1;
	s5 =	sand.u32 $0x1, s0;
	s0 =	stileid.u32  }
0x4: {  	s15 =	simm.s32 $0x2;
	s16 =	simm.s32 $0x0;
	s7 =	smul.u32 $0x2800, s0  }
0x5: {  	[smem:$0x7FF] =	sst s3;
	s1 =	sshll.u32 s5, $0x4;
	s8 =	smul.u32 $0x28000, s5  }
0x6: {  	s5 =	ssub.s32 $0x2, s5;
	s31 =	sshll.u32 s0, $0x6;
	s1 =	sor.u32 s0, s1  }
0x7: {  	s30 =	sshrl.u32 s5, $0x1;
	s4 =	smul.u32 $0x4F0, s1;
	s1 =	rddreg [dreg:$0x2]  }
0x8: {  	_ =	strace $0x80000047;
	s8 =	sadd.s32 s7, s8;
	s10 =	sshrl.u32 s7, $0x3  }
0x9: {  	s11 =	ssub.s32 s5, s30;
	s12 =	sadd.s32 s7, s2;
	s8 =	sshrl.u32 s8, $0x3  }
0xa: {  	s10 =	sadd.s32 s10, s6;
	s12 =	sshrl.u32 s12, $0x3;
	s9 =	sadd.s32 s4, s6  }
0xb: {  	s4 =	sadd.s32 $0xD600, s6;
	s8 =	sadd.s32 s8, s6;
	s6 =	sadd.s32 $0xD800, s10  }
0xc: {  	s10 =	simm.s32 $0x2780;
	s5 =	sadd.s32 $0x3800, s9;
	s7 =	sadd.s32 $0x12800, s8  }
0xd: {  	s8 =	smax.u32 s11, $0x1;
	s9 =	simm.s32 $0x3;
	s11 =	sor.u32 $0x1C03, s31  }
.LBB2_1:
0xe: {  	[tilespmem:s3], [sflag:$0x3] =	stream.linear.gather [hbm4b:s5+s3], $0x2780, $0x38;
	[tilespmem:$0x5780] =	vst v63  }
0xf: {  	_ =	swait.ge [sflag:s9], $0x2780  }
0x10: {  	[sflag:s9] =	ssyncset.done $0x0  }
0x11: {  	[sflag:s9] =	ssyncadd.s32 $0xFFFFD880  }
0x12: {  	[tilespmem:s10], [sflag:$0x3] =	stream.linear.gather [hbm4b:s4+s3], $0x800, $0x38;
	[tilespmem:$0x5780] =	vst v63  }
0x13: {  	_ =	swait.ge [sflag:s9], $0x800  }
0x14: {  	[sflag:s9] =	ssyncset.done $0x0  }
0x15: {  	[sflag:s9] =	ssyncadd.s32 $0xFFFFF800  }
0x16: {  	[spmem:s12], [sflag:s11] =	dma.local [hbm:s6], $0x500  }
0x17: {  	_ =	swait.ge [sflag:s9], $0x500  }
0x18: {  	[sflag:s9] =	ssyncset.done $0x0  }
0x19: {  	[sflag:s9] =	ssyncadd.s32 $0xFFFFFB00  }
0x1a: {  	s17 =	sand.u32 $0x1, s15;
	[bflag:$0x0] =	sbarrier.arrive $0xFFFF  }
0x1b: {  	[spmem:s2] =	stream.indirect.scatter.add.f32 [tilespmem:s10], [sflag:$0x1], $0x10, s3, s13, $0xb8;
	[tilespmem:$0x5780] =	vst v63  }
0x1c: {  	s18 =	sadd.s32 $0x1, s17  }
0x1d: {  	[spmem:s2] =	stream.indirect.scatter.add.f32 [tilespmem:s10], [sflag:$0x2], $0x10, s13, s13, $0xb8;
	[tilespmem:$0x5780] =	vst v63  }
0x1e: {  	_ =	swait.ge [sflag:s18], $0x800  }
0x1f: {  	s19 =	simm.s32 $0x3;
	[sflag:s18] =	ssyncset.done $0x0  }
0x20: {  	s17 =	simm.s32 $0x100;
	s19 =	sand.u32 $0x1, s19;
	[sflag:s18] =	ssyncadd.s32 $0xFFFFF800  }
0x21: {  	[spmem:s2] =	stream.indirect.scatter.add.f32 [tilespmem:s10], [sflag:s18], $0x10, s17, s13, $0xb8;
	[tilespmem:$0x5780] =	vst v63  }
0x22: {  	s18 =	sadd.s32 $0x1, s19  }
0x23: {  	s19 =	simm.s32 $0x4;
	_ =	swait.ge [sflag:s18], $0x800  }
.LBB2_2:
0x24: {  	s20 =	sand.u32 $0x1, s19  }
0x25: {  	[sflag:s18] =	ssyncset.done $0x0;
	s17 =	sadd.s32 $0x80, s17;
	p0 =	sne.s32 s19, $0x4E  }
.Ltmp0:
0x26: {  	s20 =	sadd.s32 $0x1, s20;
	[sflag:s18] =	ssyncadd.s32 $0xFFFFF800;
	(pc) =	sbr.rel @p0 .LBB2_2-.Ltmp0, $3  }
0x27: {  	[spmem:s2] =	stream.indirect.scatter.add.f32 [tilespmem:s10], [sflag:s18], $0x10, s17, s13, $0xb8;
	[tilespmem:$0x5780] =	vst v63  }
0x28: {  	s18 =	smov.u32 s20;
	_ =	swait.ge [sflag:s20], $0x800;
	_ =	sdelay $0x1  }
0x29: {  	s19 =	sadd.s32 $0x1, s19  }
0x2a: {  	[sflag:s18] =	ssyncset.done $0x0  }
0x2b: {  	s17 =	sadd.s32 $0x80, s17;
	[sflag:s18] =	ssyncadd.s32 $0xFFFFF800  }
0x2c: {  	[spmem:s2] =	stream.indirect.scatter.add.f32 [tilespmem:s10], [sflag:s18], $0x10, s17, s13, $0xb8;
	[tilespmem:$0x5780] =	vst v63  }
0x2d: {  	_ =	swait.ge [sflag:s14], $0x800  }
0x2e: {  	[sflag:s14] =	ssyncset.done $0x0  }
0x2f: {  	[sflag:s14] =	ssyncadd.s32 $0xFFFFF800  }
0x30: {  	_ =	swait.ge [sflag:s15], $0x800  }
0x31: {  	s16 =	sadd.s32 $0x1, s16;
	[sflag:s15] =	ssyncset.done $0x0  }
0x32: {  	p0 =	sne.s32 s16, s8;
	[sflag:s15] =	ssyncadd.s32 $0xFFFFF800  }
.Ltmp1:
0x33: {  	[bflag:$0x0] =	sbarrier.arrive $0xFFFF;
	(pc) =	sbr.rel @p0 .LBB2_1-.Ltmp1, $4  }
0x34: {  	[hbm:s7], [sflag:s11] =	dma.local [spmem:s12], $0x500  }
0x35: {  	_ =	swait.ge [sflag:s9], $0x500  }
0x36: {  	[sflag:s9] =	ssyncset.done $0x0  }
0x37: {  	[sflag:s9] =	ssyncadd.s32 $0xFFFFFB00  }
0x38: {  	_ =	sfence.sel $0x180000  }
0x39: {  	[bflag:$0x0] =	sbarrier.arrive $0xFFFF  }
0x3a: {  	p0 =	sne.s32 s0, $0x0;
	_ =	strace $0x90000047  }
0x3b: {  	s0 =	sadd.s32 @!p0 $0x100000, s1;
	[bflag:$0x2] =	sbarrier.arrive $0xFFFF  }
0x3c: {  	[sflag:s0] =	ssyncadd.tile.s32 @!p0 $0x1;
	_ =	shalt  }
.Lfunc_end2:
_tile_overlayer_lowered:
.L_overlay_start_2:
0x3d: {  	(tag) =	ssettag $0x2  }
0x3e: {  	s0 =	rddreg [dreg:$0x0];
	s2 =	stileid.u32  }
0x3f: {  	s1 =	rddreg [dreg:$0x1];
	p0 =	sne.s32 s2, $0x0  }
0x40: {  	s3 =	rddreg [dreg:$0x2];
	[bflag:$0x3] =	sbarrier.arrive $0xFFFF;
	s2 =	simm.s32 @!p0 $0x1C03  }
0x41: {  	[timem:s3], [sflag:s2] =	dma.local @!p0 [hbm:s0], s1  }
0x42: {  	s0 =	simm.s32 @!p0 $0x3  }
0x43: {  	_ =	swait.ge @!p0 [sflag:s0], s1  }
0x44: {  	s1 =	ssub.s32 @!p0 $0x0, s1;
	[sflag:s0] =	ssyncset.done @!p0 $0x0  }
0x45: {  	[sflag:s0] =	ssyncadd.s32 @!p0 s1  }
0x46: {  	[bflag:$0x3] =	sbarrier.arrive $0xFFFF  }
0x47: {  	_ =	shalt  }

</sc_bundles>
